<compile_context>
chip_gen: v7x
topology: tpu7x:2x2x1
jax: 0.10.2.dev20260603
libtpu: 0.0.44.dev20260713+nightly
codegen_flags: <defaults>
</compile_context>

<pallas_src>
import functools

import jax
import jax.numpy as jnp
from jax import lax
from jax.experimental import pallas as pl
from jax.experimental.pallas import tpu as pltpu
from jax.experimental.pallas import tpu_sc as plsc

D_IN = 128
D_ENC = 256

_NC = 2
_NS = 16
_NW = _NC * _NS


def _clip_map(off, nb):
    return lambda i: (jnp.minimum(jnp.maximum(i - off, 0), nb - 1), 0)


def _const_map(i):
    return (0, 0)


def _pred_mlp(xb, we, be, w1, b1, w2t, b2):
    h = jnp.maximum(
        jnp.dot(xb, we, preferred_element_type=jnp.float32) + be, 0.0)
    t = jnp.maximum(
        jnp.dot(h, w1, preferred_element_type=jnp.float32) + b1, 0.0)
    return jnp.sum(t * w2t, axis=1, keepdims=True) + b2[0, 0]


def _mega_body(x1_ref, x2_ref, s1_ref, s2_ref,
               g1_ref, g2_ref, g3_ref, g4_ref,
               we_ref, be_ref, w1_ref, b1_ref, w2t_ref, b2_ref,
               p1_ref, p2_ref, p3_ref, p4_ref,
               e1_ref, e2_ref, e3_ref, e4_ref, *, segs):
    i = pl.program_id(0)
    we = we_ref[...]
    be = be_ref[...]
    x_refs = (x1_ref, x2_ref, s1_ref, s2_ref)
    p_refs = (p1_ref, p2_ref, p3_ref, p4_ref)
    g_refs = (g1_ref, g2_ref, g3_ref, g4_ref)
    e_refs = (e1_ref, e2_ref, e3_ref, e4_ref)
    for k, (lo, hi) in enumerate(segs[:4]):
        @pl.when(jnp.logical_and(i >= lo, i < hi))
        def _(x_ref=x_refs[k], o_ref=p_refs[k]):
            o_ref[...] = _pred_mlp(
                x_ref[...], we, be, w1_ref[...], b1_ref[...],
                w2t_ref[...], b2_ref[...])
    for k, (lo, hi) in enumerate(segs[4:]):
        @pl.when(jnp.logical_and(i >= lo, i < hi))
        def _(x_ref=g_refs[k], o_ref=e_refs[k]):
            o_ref[...] = jnp.maximum(
                jnp.dot(x_ref[...], we, preferred_element_type=jnp.float32)
                + be, 0.0)


def _tc_mega(x1, x2, s1, s2, g1, g2, g3, g4,
             we, be2, w1, b12, w2t, b22, bm):
    tensors = (x1, x2, s1, s2, g1, g2, g3, g4)
    nb = [t.shape[0] // bm for t in tensors]
    offs = []
    segs = []
    acc = 0
    for n in nb:
        offs.append(acc)
        segs.append((acc, acc + n))
        acc += n
    body = functools.partial(_mega_body, segs=tuple(segs))
    row_specs = [pl.BlockSpec((bm, D_IN), _clip_map(offs[k], nb[k]))
                 for k in range(8)]
    return pl.pallas_call(
        body,
        grid=(acc,),
        in_specs=row_specs + [
            pl.BlockSpec((D_IN, D_ENC), _const_map),
            pl.BlockSpec((1, D_ENC), _const_map),
            pl.BlockSpec((D_ENC, D_ENC), _const_map),
            pl.BlockSpec((1, D_ENC), _const_map),
            pl.BlockSpec((1, D_ENC), _const_map),
            pl.BlockSpec((1, 1), _const_map),
        ],
        out_specs=[
            pl.BlockSpec((bm, 1), _clip_map(offs[k], nb[k]))
            for k in range(4)
        ] + [
            pl.BlockSpec((bm, D_ENC), _clip_map(offs[4 + k], nb[4 + k]))
            for k in range(4)
        ],
        out_shape=[
            jax.ShapeDtypeStruct((tensors[k].shape[0], 1), jnp.float32)
            for k in range(4)
        ] + [
            jax.ShapeDtypeStruct((tensors[4 + k].shape[0], D_ENC), jnp.float32)
            for k in range(4)
        ],
    )(x1, x2, s1, s2, g1, g2, g3, g4, we, be2, w1, b12, w2t, b22)


def _make_sc_gather(p, ps, d):
    bp = p // _NW
    bs = ps // _NW
    mesh = plsc.VectorSubcoreMesh(core_axis_name="c", subcore_axis_name="s")

    @functools.partial(
        pl.kernel,
        mesh=mesh,
        out_type=[
            jax.ShapeDtypeStruct((p, d), jnp.float32),
            jax.ShapeDtypeStruct((p, d), jnp.float32),
            jax.ShapeDtypeStruct((ps, d), jnp.float32),
            jax.ShapeDtypeStruct((ps, d), jnp.float32),
        ],
        scratch_types=[
            pltpu.VMEM((bp,), jnp.int32),
            pltpu.VMEM((bp,), jnp.int32),
            pltpu.VMEM((bs,), jnp.int32),
            pltpu.VMEM((bs,), jnp.int32),
            pltpu.VMEM((bp, d), jnp.float32),
            pltpu.VMEM((bp, d), jnp.float32),
            pltpu.VMEM((bs, d), jnp.float32),
            pltpu.VMEM((bs, d), jnp.float32),
            pltpu.SemaphoreType.DMA,
            pltpu.SemaphoreType.DMA,
            pltpu.SemaphoreType.DMA,
            pltpu.SemaphoreType.DMA,
        ],
    )
    def sc_gather(x1h, x2h, s1h, s2h, il_h, ir_h, sl_h, sr_h,
                  o1, o2, o3, o4,
                  i1, i2, i3, i4, r1, r2, r3, r4,
                  m1, m2, m3, m4):
        wid = lax.axis_index("s") * _NC + lax.axis_index("c")
        gb = wid * bp
        sb = wid * bs
        pltpu.sync_copy(il_h.at[pl.ds(gb, bp)], i1)
        pltpu.sync_copy(ir_h.at[pl.ds(gb, bp)], i2)
        pltpu.sync_copy(sl_h.at[pl.ds(sb, bs)], i3)
        pltpu.sync_copy(sr_h.at[pl.ds(sb, bs)], i4)
        c1 = pltpu.async_copy(x1h.at[i1], r1, m1)
        c2 = pltpu.async_copy(x2h.at[i2], r2, m2)
        c3 = pltpu.async_copy(s1h.at[i3], r3, m3)
        c4 = pltpu.async_copy(s2h.at[i4], r4, m4)
        c1.wait()
        pltpu.sync_copy(r1, o1.at[pl.ds(gb, bp)])
        c2.wait()
        pltpu.sync_copy(r2, o2.at[pl.ds(gb, bp)])
        c3.wait()
        pltpu.sync_copy(r3, o3.at[pl.ds(sb, bs)])
        c4.wait()
        pltpu.sync_copy(r4, o4.at[pl.ds(sb, bs)])

    return sc_gather


def kernel(x1, x2, s1, s2, idx_left, idx_right, surf_idx_left, surf_idx_right,
           W_enc, b_enc, W_h1, b_h1, W_h2, b_h2):
    be2 = b_enc.reshape(1, D_ENC)
    b12 = b_h1.reshape(1, D_ENC)
    w2t = W_h2.reshape(1, D_ENC)
    b22 = b_h2.reshape(1, 1)

    p = idx_left.shape[0]
    ps = surf_idx_left.shape[0]

    gx1, gx2, gs1, gs2 = _make_sc_gather(p, ps, D_IN)(
        x1, x2, s1, s2, idx_left, idx_right, surf_idx_left, surf_idx_right)

    (site_pred_1, site_pred_2, surf_site_pred_1, surf_site_pred_2,
     emb_left, emb_right,
     processed_left_surf, processed_right_surf) = _tc_mega(
        x1, x2, s1, s2, gx1, gx2, gs1, gs2,
        W_enc, be2, W_h1, b12, w2t, b22, 1024)

    return (emb_left, emb_right, site_pred_1, site_pred_2,
            processed_left_surf, processed_right_surf,
            surf_site_pred_1, surf_site_pred_2)

# --- scband reference (transcript-rebuilt; emitter-appended) ---
"""Pipeline reference for scband-pinder-pair-net-12506944766304 (READ-ONLY COPY).

The authoritative reference and input builder live on the scoring server;
editing this copy changes nothing except your own understanding.
"""

import jax, jax.numpy as jnp
import numpy as np

D_IN = 128
D_ENC = 256
N1 = 8192
N2 = 8192
NS1 = 16384
NS2 = 16384
P = 2048
PS = 4096


def setup_inputs(seed: int = 0) -> dict:
    key = jax.random.key(seed)
    ks = jax.random.split(key, 16)
    x1 = jax.random.normal(ks[0], (N1, D_IN), dtype=jnp.float32)
    x2 = jax.random.normal(ks[1], (N2, D_IN), dtype=jnp.float32)
    s1 = jax.random.normal(ks[2], (NS1, D_IN), dtype=jnp.float32)
    s2 = jax.random.normal(ks[3], (NS2, D_IN), dtype=jnp.float32)
    idx_left = jax.random.randint(ks[4], (P,), 0, N1, dtype=jnp.int64 if jax.config.read('jax_enable_x64') else jnp.int32)
    idx_right = jax.random.randint(ks[5], (P,), 0, N2, dtype=jnp.int32)
    surf_idx_left = jax.random.randint(ks[6], (PS,), 0, NS1, dtype=jnp.int32)
    surf_idx_right = jax.random.randint(ks[7], (PS,), 0, NS2, dtype=jnp.int32)
    # learned parameters: shared protein encoder (linear + relu to encoded_dims)
    W_enc = jax.random.normal(ks[8], (D_IN, D_ENC), dtype=jnp.float32) * (1.0 / np.sqrt(D_IN))
    b_enc = jnp.zeros((D_ENC,), dtype=jnp.float32)
    # binding-site head: Linear(d,d) -> ReLU -> Dropout(eval) -> Linear(d,1)
    W_h1 = jax.random.normal(ks[9], (D_ENC, D_ENC), dtype=jnp.float32) * (1.0 / np.sqrt(D_ENC))
    b_h1 = jnp.zeros((D_ENC,), dtype=jnp.float32)
    W_h2 = jax.random.normal(ks[10], (D_ENC, 1), dtype=jnp.float32) * (1.0 / np.sqrt(D_ENC))
    b_h2 = jnp.zeros((1,), dtype=jnp.float32)
    return {
        'x1': x1, 'x2': x2, 's1': s1, 's2': s2,
        'idx_left': idx_left.astype(jnp.int32), 'idx_right': idx_right,
        'surf_idx_left': surf_idx_left, 'surf_idx_right': surf_idx_right,
        'W_enc': W_enc, 'b_enc': b_enc,
        'W_h1': W_h1, 'b_h1': b_h1, 'W_h2': W_h2, 'b_h2': b_h2,
    }


def reference(x1, x2, s1, s2, idx_left, idx_right, surf_idx_left, surf_idx_right,
              W_enc, b_enc, W_h1, b_h1, W_h2, b_h2):
    def encoder(x):
        return jax.nn.relu(x @ W_enc + b_enc)

    def head(h):
        # dropout is identity in eval mode
        return jax.nn.relu(h @ W_h1 + b_h1) @ W_h2 + b_h2

    # shared encoder on both proteins (graph + surface representations)
    g1 = encoder(x1)
    g2 = encoder(x2)
    su1 = encoder(s1)
    su2 = encoder(s2)

    # per-residue binding-site predictions
    site_pred_1 = head(g1)
    site_pred_2 = head(g2)

    # indices are pre-flattened/offset (flat-tensor path of _offset_and_concat)
    emb_left = jnp.take(g1, idx_left, axis=0)
    emb_right = jnp.take(g2, idx_right, axis=0)

    # surface branch
    surf_site_pred_1 = head(su1)
    surf_site_pred_2 = head(su2)
    processed_left_surf = jnp.take(su1, surf_idx_left, axis=0)
    processed_right_surf = jnp.take(su2, surf_idx_right, axis=0)

    return (emb_left, emb_right, site_pred_1, site_pred_2,
            processed_left_surf, processed_right_surf,
            surf_site_pred_1, surf_site_pred_2)

if __name__ == "__main__":
    import jax
    _d = setup_inputs()
    print(jax.jit(kernel)(*tuple(_d.values())))

</pallas_src>

<mosaic_0001>
#map = affine_map<(d0, d1) -> (0, 0)>
#map1 = affine_map<(d0, d1) -> (0)>
module attributes {stable_mosaic.version = 14 : i64} {
  func.func @sc_gather(%arg0: i32, %arg1: i32, %arg2: memref<8192x128xf32, #tpu.memory_space<hbm>>, %arg3: memref<8192x128xf32, #tpu.memory_space<hbm>>, %arg4: memref<16384x128xf32, #tpu.memory_space<hbm>>, %arg5: memref<16384x128xf32, #tpu.memory_space<hbm>>, %arg6: memref<2048xi32, #tpu.memory_space<hbm>>, %arg7: memref<2048xi32, #tpu.memory_space<hbm>>, %arg8: memref<4096xi32, #tpu.memory_space<hbm>>, %arg9: memref<4096xi32, #tpu.memory_space<hbm>>, %arg10: memref<2048x128xf32, #tpu.memory_space<hbm>>, %arg11: memref<2048x128xf32, #tpu.memory_space<hbm>>, %arg12: memref<4096x128xf32, #tpu.memory_space<hbm>>, %arg13: memref<4096x128xf32, #tpu.memory_space<hbm>>, %arg14: memref<64xi32, #tpu.memory_space<vmem>>, %arg15: memref<64xi32, #tpu.memory_space<vmem>>, %arg16: memref<128xi32, #tpu.memory_space<vmem>>, %arg17: memref<128xi32, #tpu.memory_space<vmem>>, %arg18: memref<64x128xf32, #tpu.memory_space<vmem>>, %arg19: memref<64x128xf32, #tpu.memory_space<vmem>>, %arg20: memref<128x128xf32, #tpu.memory_space<vmem>>, %arg21: memref<128x128xf32, #tpu.memory_space<vmem>>, %arg22: memref<!tpu.dma_semaphore, #tpu.memory_space<semaphore_mem>>, %arg23: memref<!tpu.dma_semaphore, #tpu.memory_space<semaphore_mem>>, %arg24: memref<!tpu.dma_semaphore, #tpu.memory_space<semaphore_mem>>, %arg25: memref<!tpu.dma_semaphore, #tpu.memory_space<semaphore_mem>>) attributes {dimension_semantics = [#tpu.dimension_semantics<core_parallel>, #tpu.dimension_semantics<subcore_parallel>], iteration_bounds = array<i64: 2, 16>, scalar_prefetch = 0 : i64, scratch_operands = 12 : i64, tpu.core_type = #tpu.core_type<sc_vector_subcore>, window_params = [{transform_indices = #map}, {transform_indices = #map}, {transform_indices = #map}, {transform_indices = #map}, {transform_indices = #map1}, {transform_indices = #map1}, {transform_indices = #map1}, {transform_indices = #map1}, {transform_indices = #map}, {transform_indices = #map}, {transform_indices = #map}, {transform_indices = #map}]} {
    %mul3A = arith.constant 2 : i32
    %mul3A_0 = arith.muli %arg1, %mul3A : i32
    %add3A = arith.addi %mul3A_0, %arg0 : i32
    %mul3A_1 = arith.constant 64 : i32
    %mul3A_2 = arith.muli %add3A, %mul3A_1 : i32
    %mul3A_3 = arith.constant 128 : i32
    %mul3A_4 = arith.muli %add3A, %mul3A_3 : i32
    "tpu.region"() ({
      %run_scoped3A = tpu.sem_alloc : memref<!tpu.dma_semaphore, #tpu.memory_space<semaphore_mem>>
      %dma_start3A_27 = tpu.memref_slice %arg6[%mul3A_2] : memref<2048xi32, #tpu.memory_space<hbm>> -> memref<64xi32, #tpu.memory_space<hbm>>
      %dma_start3A_28 = tpu.memref_slice %arg6[%mul3A_2] : memref<2048xi32, #tpu.memory_space<hbm>> -> memref<64xi32, #tpu.memory_space<hbm>>
      tpu.enqueue_dma source(%dma_start3A_28 : memref<64xi32, #tpu.memory_space<hbm>>) target(%arg14 : memref<64xi32, #tpu.memory_space<vmem>>) target_semaphore(%run_scoped3A : memref<!tpu.dma_semaphore, #tpu.memory_space<semaphore_mem>>)
      %dma_wait3A_29 = tpu.memref_slice %arg6[%mul3A_2] : memref<2048xi32, #tpu.memory_space<hbm>> -> memref<64xi32, #tpu.memory_space<hbm>>
      %dma_wait3A_30 = tpu.memref_slice %arg6[%mul3A_2] : memref<2048xi32, #tpu.memory_space<hbm>> -> memref<64xi32, #tpu.memory_space<hbm>>
      tpu.wait_dma2 semaphore(%run_scoped3A : memref<!tpu.dma_semaphore, #tpu.memory_space<semaphore_mem>>) src(%dma_wait3A_30 : memref<64xi32, #tpu.memory_space<hbm>>) dst(%arg14 : memref<64xi32, #tpu.memory_space<vmem>>)
      tpu.yield
    }) : () -> ()
    "tpu.region"() ({
      %run_scoped3A = tpu.sem_alloc : memref<!tpu.dma_semaphore, #tpu.memory_space<semaphore_mem>>
      %dma_start3A_27 = tpu.memref_slice %arg7[%mul3A_2] : memref<2048xi32, #tpu.memory_space<hbm>> -> memref<64xi32, #tpu.memory_space<hbm>>
      %dma_start3A_28 = tpu.memref_slice %arg7[%mul3A_2] : memref<2048xi32, #tpu.memory_space<hbm>> -> memref<64xi32, #tpu.memory_space<hbm>>
      tpu.enqueue_dma source(%dma_start3A_28 : memref<64xi32, #tpu.memory_space<hbm>>) target(%arg15 : memref<64xi32, #tpu.memory_space<vmem>>) target_semaphore(%run_scoped3A : memref<!tpu.dma_semaphore, #tpu.memory_space<semaphore_mem>>)
      %dma_wait3A_29 = tpu.memref_slice %arg7[%mul3A_2] : memref<2048xi32, #tpu.memory_space<hbm>> -> memref<64xi32, #tpu.memory_space<hbm>>
      %dma_wait3A_30 = tpu.memref_slice %arg7[%mul3A_2] : memref<2048xi32, #tpu.memory_space<hbm>> -> memref<64xi32, #tpu.memory_space<hbm>>
      tpu.wait_dma2 semaphore(%run_scoped3A : memref<!tpu.dma_semaphore, #tpu.memory_space<semaphore_mem>>) src(%dma_wait3A_30 : memref<64xi32, #tpu.memory_space<hbm>>) dst(%arg15 : memref<64xi32, #tpu.memory_space<vmem>>)
      tpu.yield
    }) : () -> ()
    "tpu.region"() ({
      %run_scoped3A = tpu.sem_alloc : memref<!tpu.dma_semaphore, #tpu.memory_space<semaphore_mem>>
      %dma_start3A_27 = tpu.memref_slice %arg8[%mul3A_4] : memref<4096xi32, #tpu.memory_space<hbm>> -> memref<128xi32, #tpu.memory_space<hbm>>
      %dma_start3A_28 = tpu.memref_slice %arg8[%mul3A_4] : memref<4096xi32, #tpu.memory_space<hbm>> -> memref<128xi32, #tpu.memory_space<hbm>>
      tpu.enqueue_dma source(%dma_start3A_28 : memref<128xi32, #tpu.memory_space<hbm>>) target(%arg16 : memref<128xi32, #tpu.memory_space<vmem>>) target_semaphore(%run_scoped3A : memref<!tpu.dma_semaphore, #tpu.memory_space<semaphore_mem>>)
      %dma_wait3A_29 = tpu.memref_slice %arg8[%mul3A_4] : memref<4096xi32, #tpu.memory_space<hbm>> -> memref<128xi32, #tpu.memory_space<hbm>>
      %dma_wait3A_30 = tpu.memref_slice %arg8[%mul3A_4] : memref<4096xi32, #tpu.memory_space<hbm>> -> memref<128xi32, #tpu.memory_space<hbm>>
      tpu.wait_dma2 semaphore(%run_scoped3A : memref<!tpu.dma_semaphore, #tpu.memory_space<semaphore_mem>>) src(%dma_wait3A_30 : memref<128xi32, #tpu.memory_space<hbm>>) dst(%arg16 : memref<128xi32, #tpu.memory_space<vmem>>)
      tpu.yield
    }) : () -> ()
    "tpu.region"() ({
      %run_scoped3A = tpu.sem_alloc : memref<!tpu.dma_semaphore, #tpu.memory_space<semaphore_mem>>
      %dma_start3A_27 = tpu.memref_slice %arg9[%mul3A_4] : memref<4096xi32, #tpu.memory_space<hbm>> -> memref<128xi32, #tpu.memory_space<hbm>>
      %dma_start3A_28 = tpu.memref_slice %arg9[%mul3A_4] : memref<4096xi32, #tpu.memory_space<hbm>> -> memref<128xi32, #tpu.memory_space<hbm>>
      tpu.enqueue_dma source(%dma_start3A_28 : memref<128xi32, #tpu.memory_space<hbm>>) target(%arg17 : memref<128xi32, #tpu.memory_space<vmem>>) target_semaphore(%run_scoped3A : memref<!tpu.dma_semaphore, #tpu.memory_space<semaphore_mem>>)
      %dma_wait3A_29 = tpu.memref_slice %arg9[%mul3A_4] : memref<4096xi32, #tpu.memory_space<hbm>> -> memref<128xi32, #tpu.memory_space<hbm>>
      %dma_wait3A_30 = tpu.memref_slice %arg9[%mul3A_4] : memref<4096xi32, #tpu.memory_space<hbm>> -> memref<128xi32, #tpu.memory_space<hbm>>
      tpu.wait_dma2 semaphore(%run_scoped3A : memref<!tpu.dma_semaphore, #tpu.memory_space<semaphore_mem>>) src(%dma_wait3A_30 : memref<128xi32, #tpu.memory_space<hbm>>) dst(%arg17 : memref<128xi32, #tpu.memory_space<vmem>>)
      tpu.yield
    }) : () -> ()
    %dma_start3A = arith.constant 0 : i32
    %dma_start3A_5 = arith.constant 0 : i32
    %dma_start3A_6 = tpu.memref_slice %arg2[%dma_start3A, %dma_start3A_5] : memref<8192x128xf32, #tpu.memory_space<hbm>> -> memref<8192x128xf32, #tpu.memory_space<hbm>>
    tpu.enqueue_indirect_dma source(%dma_start3A_6 : memref<8192x128xf32, #tpu.memory_space<hbm>>) target(%arg18 : memref<64x128xf32, #tpu.memory_space<vmem>>) offsets(%arg14 : memref<64xi32, #tpu.memory_space<vmem>>) semaphore(%arg22 : memref<!tpu.dma_semaphore, #tpu.memory_space<semaphore_mem>>)
    %dma_start3A_7 = arith.constant 0 : i32
    %dma_start3A_8 = arith.constant 0 : i32
    %dma_start3A_9 = tpu.memref_slice %arg3[%dma_start3A_7, %dma_start3A_8] : memref<8192x128xf32, #tpu.memory_space<hbm>> -> memref<8192x128xf32, #tpu.memory_space<hbm>>
    tpu.enqueue_indirect_dma source(%dma_start3A_9 : memref<8192x128xf32, #tpu.memory_space<hbm>>) target(%arg19 : memref<64x128xf32, #tpu.memory_space<vmem>>) offsets(%arg15 : memref<64xi32, #tpu.memory_space<vmem>>) semaphore(%arg23 : memref<!tpu.dma_semaphore, #tpu.memory_space<semaphore_mem>>)
    %dma_start3A_10 = arith.constant 0 : i32
    %dma_start3A_11 = arith.constant 0 : i32
    %dma_start3A_12 = tpu.memref_slice %arg4[%dma_start3A_10, %dma_start3A_11] : memref<16384x128xf32, #tpu.memory_space<hbm>> -> memref<16384x128xf32, #tpu.memory_space<hbm>>
    tpu.enqueue_indirect_dma source(%dma_start3A_12 : memref<16384x128xf32, #tpu.memory_space<hbm>>) target(%arg20 : memref<128x128xf32, #tpu.memory_space<vmem>>) offsets(%arg16 : memref<128xi32, #tpu.memory_space<vmem>>) semaphore(%arg24 : memref<!tpu.dma_semaphore, #tpu.memory_space<semaphore_mem>>)
    %dma_start3A_13 = arith.constant 0 : i32
    %dma_start3A_14 = arith.constant 0 : i32
    %dma_start3A_15 = tpu.memref_slice %arg5[%dma_start3A_13, %dma_start3A_14] : memref<16384x128xf32, #tpu.memory_space<hbm>> -> memref<16384x128xf32, #tpu.memory_space<hbm>>
    tpu.enqueue_indirect_dma source(%dma_start3A_15 : memref<16384x128xf32, #tpu.memory_space<hbm>>) target(%arg21 : memref<128x128xf32, #tpu.memory_space<vmem>>) offsets(%arg17 : memref<128xi32, #tpu.memory_space<vmem>>) semaphore(%arg25 : memref<!tpu.dma_semaphore, #tpu.memory_space<semaphore_mem>>)
    %dma_wait3A = arith.constant 0 : i32
    %dma_wait3A_16 = arith.constant 0 : i32
    %dma_wait3A_17 = tpu.memref_slice %arg2[%dma_wait3A, %dma_wait3A_16] : memref<8192x128xf32, #tpu.memory_space<hbm>> -> memref<8192x128xf32, #tpu.memory_space<hbm>>
    tpu.wait_indirect_dma semaphore(%arg22 : memref<!tpu.dma_semaphore, #tpu.memory_space<semaphore_mem>>) src(%dma_wait3A_17 : memref<8192x128xf32, #tpu.memory_space<hbm>>) dst(%arg18 : memref<64x128xf32, #tpu.memory_space<vmem>>)
    "tpu.region"() ({
      %run_scoped3A = tpu.sem_alloc : memref<!tpu.dma_semaphore, #tpu.memory_space<semaphore_mem>>
      %dma_start3A_27 = arith.constant 0 : i32
      %dma_start3A_28 = tpu.memref_slice %arg10[%mul3A_2, %dma_start3A_27] : memref<2048x128xf32, #tpu.memory_space<hbm>> -> memref<64x128xf32, #tpu.memory_space<hbm>>
      %dma_start3A_29 = arith.constant 0 : i32
      %dma_start3A_30 = tpu.memref_slice %arg10[%mul3A_2, %dma_start3A_29] : memref<2048x128xf32, #tpu.memory_space<hbm>> -> memref<64x128xf32, #tpu.memory_space<hbm>>
      tpu.enqueue_dma source(%arg18 : memref<64x128xf32, #tpu.memory_space<vmem>>) target(%dma_start3A_30 : memref<64x128xf32, #tpu.memory_space<hbm>>) target_semaphore(%run_scoped3A : memref<!tpu.dma_semaphore, #tpu.memory_space<semaphore_mem>>)
      %dma_wait3A_31 = arith.constant 0 : i32
      %dma_wait3A_32 = tpu.memref_slice %arg10[%mul3A_2, %dma_wait3A_31] : memref<2048x128xf32, #tpu.memory_space<hbm>> -> memref<64x128xf32, #tpu.memory_space<hbm>>
      %dma_wait3A_33 = arith.constant 0 : i32
      %dma_wait3A_34 = tpu.memref_slice %arg10[%mul3A_2, %dma_wait3A_33] : memref<2048x128xf32, #tpu.memory_space<hbm>> -> memref<64x128xf32, #tpu.memory_space<hbm>>
      tpu.wait_dma2 semaphore(%run_scoped3A : memref<!tpu.dma_semaphore, #tpu.memory_space<semaphore_mem>>) src(%arg18 : memref<64x128xf32, #tpu.memory_space<vmem>>) dst(%dma_wait3A_34 : memref<64x128xf32, #tpu.memory_space<hbm>>)
      tpu.yield
    }) : () -> ()
    %dma_wait3A_18 = arith.constant 0 : i32
    %dma_wait3A_19 = arith.constant 0 : i32
    %dma_wait3A_20 = tpu.memref_slice %arg3[%dma_wait3A_18, %dma_wait3A_19] : memref<8192x128xf32, #tpu.memory_space<hbm>> -> memref<8192x128xf32, #tpu.memory_space<hbm>>
    tpu.wait_indirect_dma semaphore(%arg23 : memref<!tpu.dma_semaphore, #tpu.memory_space<semaphore_mem>>) src(%dma_wait3A_20 : memref<8192x128xf32, #tpu.memory_space<hbm>>) dst(%arg19 : memref<64x128xf32, #tpu.memory_space<vmem>>)
    "tpu.region"() ({
      %run_scoped3A = tpu.sem_alloc : memref<!tpu.dma_semaphore, #tpu.memory_space<semaphore_mem>>
      %dma_start3A_27 = arith.constant 0 : i32
      %dma_start3A_28 = tpu.memref_slice %arg11[%mul3A_2, %dma_start3A_27] : memref<2048x128xf32, #tpu.memory_space<hbm>> -> memref<64x128xf32, #tpu.memory_space<hbm>>
      %dma_start3A_29 = arith.constant 0 : i32
      %dma_start3A_30 = tpu.memref_slice %arg11[%mul3A_2, %dma_start3A_29] : memref<2048x128xf32, #tpu.memory_space<hbm>> -> memref<64x128xf32, #tpu.memory_space<hbm>>
      tpu.enqueue_dma source(%arg19 : memref<64x128xf32, #tpu.memory_space<vmem>>) target(%dma_start3A_30 : memref<64x128xf32, #tpu.memory_space<hbm>>) target_semaphore(%run_scoped3A : memref<!tpu.dma_semaphore, #tpu.memory_space<semaphore_mem>>)
      %dma_wait3A_31 = arith.constant 0 : i32
      %dma_wait3A_32 = tpu.memref_slice %arg11[%mul3A_2, %dma_wait3A_31] : memref<2048x128xf32, #tpu.memory_space<hbm>> -> memref<64x128xf32, #tpu.memory_space<hbm>>
      %dma_wait3A_33 = arith.constant 0 : i32
      %dma_wait3A_34 = tpu.memref_slice %arg11[%mul3A_2, %dma_wait3A_33] : memref<2048x128xf32, #tpu.memory_space<hbm>> -> memref<64x128xf32, #tpu.memory_space<hbm>>
      tpu.wait_dma2 semaphore(%run_scoped3A : memref<!tpu.dma_semaphore, #tpu.memory_space<semaphore_mem>>) src(%arg19 : memref<64x128xf32, #tpu.memory_space<vmem>>) dst(%dma_wait3A_34 : memref<64x128xf32, #tpu.memory_space<hbm>>)
      tpu.yield
    }) : () -> ()
    %dma_wait3A_21 = arith.constant 0 : i32
    %dma_wait3A_22 = arith.constant 0 : i32
    %dma_wait3A_23 = tpu.memref_slice %arg4[%dma_wait3A_21, %dma_wait3A_22] : memref<16384x128xf32, #tpu.memory_space<hbm>> -> memref<16384x128xf32, #tpu.memory_space<hbm>>
    tpu.wait_indirect_dma semaphore(%arg24 : memref<!tpu.dma_semaphore, #tpu.memory_space<semaphore_mem>>) src(%dma_wait3A_23 : memref<16384x128xf32, #tpu.memory_space<hbm>>) dst(%arg20 : memref<128x128xf32, #tpu.memory_space<vmem>>)
    "tpu.region"() ({
      %run_scoped3A = tpu.sem_alloc : memref<!tpu.dma_semaphore, #tpu.memory_space<semaphore_mem>>
      %dma_start3A_27 = arith.constant 0 : i32
      %dma_start3A_28 = tpu.memref_slice %arg12[%mul3A_4, %dma_start3A_27] : memref<4096x128xf32, #tpu.memory_space<hbm>> -> memref<128x128xf32, #tpu.memory_space<hbm>>
      %dma_start3A_29 = arith.constant 0 : i32
      %dma_start3A_30 = tpu.memref_slice %arg12[%mul3A_4, %dma_start3A_29] : memref<4096x128xf32, #tpu.memory_space<hbm>> -> memref<128x128xf32, #tpu.memory_space<hbm>>
      tpu.enqueue_dma source(%arg20 : memref<128x128xf32, #tpu.memory_space<vmem>>) target(%dma_start3A_30 : memref<128x128xf32, #tpu.memory_space<hbm>>) target_semaphore(%run_scoped3A : memref<!tpu.dma_semaphore, #tpu.memory_space<semaphore_mem>>)
      %dma_wait3A_31 = arith.constant 0 : i32
      %dma_wait3A_32 = tpu.memref_slice %arg12[%mul3A_4, %dma_wait3A_31] : memref<4096x128xf32, #tpu.memory_space<hbm>> -> memref<128x128xf32, #tpu.memory_space<hbm>>
      %dma_wait3A_33 = arith.constant 0 : i32
      %dma_wait3A_34 = tpu.memref_slice %arg12[%mul3A_4, %dma_wait3A_33] : memref<4096x128xf32, #tpu.memory_space<hbm>> -> memref<128x128xf32, #tpu.memory_space<hbm>>
      tpu.wait_dma2 semaphore(%run_scoped3A : memref<!tpu.dma_semaphore, #tpu.memory_space<semaphore_mem>>) src(%arg20 : memref<128x128xf32, #tpu.memory_space<vmem>>) dst(%dma_wait3A_34 : memref<128x128xf32, #tpu.memory_space<hbm>>)
      tpu.yield
    }) : () -> ()
    %dma_wait3A_24 = arith.constant 0 : i32
    %dma_wait3A_25 = arith.constant 0 : i32
    %dma_wait3A_26 = tpu.memref_slice %arg5[%dma_wait3A_24, %dma_wait3A_25] : memref<16384x128xf32, #tpu.memory_space<hbm>> -> memref<16384x128xf32, #tpu.memory_space<hbm>>
    tpu.wait_indirect_dma semaphore(%arg25 : memref<!tpu.dma_semaphore, #tpu.memory_space<semaphore_mem>>) src(%dma_wait3A_26 : memref<16384x128xf32, #tpu.memory_space<hbm>>) dst(%arg21 : memref<128x128xf32, #tpu.memory_space<vmem>>)
    "tpu.region"() ({
      %run_scoped3A = tpu.sem_alloc : memref<!tpu.dma_semaphore, #tpu.memory_space<semaphore_mem>>
      %dma_start3A_27 = arith.constant 0 : i32
      %dma_start3A_28 = tpu.memref_slice %arg13[%mul3A_4, %dma_start3A_27] : memref<4096x128xf32, #tpu.memory_space<hbm>> -> memref<128x128xf32, #tpu.memory_space<hbm>>
      %dma_start3A_29 = arith.constant 0 : i32
      %dma_start3A_30 = tpu.memref_slice %arg13[%mul3A_4, %dma_start3A_29] : memref<4096x128xf32, #tpu.memory_space<hbm>> -> memref<128x128xf32, #tpu.memory_space<hbm>>
      tpu.enqueue_dma source(%arg21 : memref<128x128xf32, #tpu.memory_space<vmem>>) target(%dma_start3A_30 : memref<128x128xf32, #tpu.memory_space<hbm>>) target_semaphore(%run_scoped3A : memref<!tpu.dma_semaphore, #tpu.memory_space<semaphore_mem>>)
      %dma_wait3A_31 = arith.constant 0 : i32
      %dma_wait3A_32 = tpu.memref_slice %arg13[%mul3A_4, %dma_wait3A_31] : memref<4096x128xf32, #tpu.memory_space<hbm>> -> memref<128x128xf32, #tpu.memory_space<hbm>>
      %dma_wait3A_33 = arith.constant 0 : i32
      %dma_wait3A_34 = tpu.memref_slice %arg13[%mul3A_4, %dma_wait3A_33] : memref<4096x128xf32, #tpu.memory_space<hbm>> -> memref<128x128xf32, #tpu.memory_space<hbm>>
      tpu.wait_dma2 semaphore(%run_scoped3A : memref<!tpu.dma_semaphore, #tpu.memory_space<semaphore_mem>>) src(%arg21 : memref<128x128xf32, #tpu.memory_space<vmem>>) dst(%dma_wait3A_34 : memref<128x128xf32, #tpu.memory_space<hbm>>)
      tpu.yield
    }) : () -> ()
    return
  }
}

module attributes {stable_mosaic.version = 14 : i64} {
  func.func @_mega_body(%arg0: i32, %arg1: memref<1024x128xf32, #tpu.memory_space<vmem>>, %arg2: memref<1024x128xf32, #tpu.memory_space<vmem>>, %arg3: memref<1024x128xf32, #tpu.memory_space<vmem>>, %arg4: memref<1024x128xf32, #tpu.memory_space<vmem>>, %arg5: memref<1024x128xf32, #tpu.memory_space<vmem>>, %arg6: memref<1024x128xf32, #tpu.memory_space<vmem>>, %arg7: memref<1024x128xf32, #tpu.memory_space<vmem>>, %arg8: memref<1024x128xf32, #tpu.memory_space<vmem>>, %arg9: memref<128x256xf32, #tpu.memory_space<vmem>>, %arg10: memref<1x256xf32, #tpu.memory_space<vmem>>, %arg11: memref<256x256xf32, #tpu.memory_space<vmem>>, %arg12: memref<1x256xf32, #tpu.memory_space<vmem>>, %arg13: memref<1x256xf32, #tpu.memory_space<vmem>>, %arg14: memref<1x1xf32, #tpu.memory_space<vmem>>, %arg15: memref<1024x1xf32, #tpu.memory_space<vmem>>, %arg16: memref<1024x1xf32, #tpu.memory_space<vmem>>, %arg17: memref<1024x1xf32, #tpu.memory_space<vmem>>, %arg18: memref<1024x1xf32, #tpu.memory_space<vmem>>, %arg19: memref<1024x256xf32, #tpu.memory_space<vmem>>, %arg20: memref<1024x256xf32, #tpu.memory_space<vmem>>, %arg21: memref<1024x256xf32, #tpu.memory_space<vmem>>, %arg22: memref<1024x256xf32, #tpu.memory_space<vmem>>) attributes {dimension_semantics = [#tpu.dimension_semantics<arbitrary>], iteration_bounds = array<i64: 60>, scalar_prefetch = 0 : i64, scratch_operands = 0 : i64, tpu.core_type = #tpu.core_type<tc>, window_params = [{transform_indices = @transform_0, window_bounds = array<i64: 1024, 128>}, {transform_indices = @transform_1, window_bounds = array<i64: 1024, 128>}, {transform_indices = @transform_2, window_bounds = array<i64: 1024, 128>}, {transform_indices = @transform_3, window_bounds = array<i64: 1024, 128>}, {transform_indices = @transform_4, window_bounds = array<i64: 1024, 128>}, {transform_indices = @transform_5, window_bounds = array<i64: 1024, 128>}, {transform_indices = @transform_6, window_bounds = array<i64: 1024, 128>}, {transform_indices = @transform_7, window_bounds = array<i64: 1024, 128>}, {pipeline_mode = #tpu.pipeline_mode<synchronous>, transform_indices = @transform_8, window_bounds = array<i64: 128, 256>}, {pipeline_mode = #tpu.pipeline_mode<synchronous>, transform_indices = @transform_9, window_bounds = array<i64: 1, 256>}, {pipeline_mode = #tpu.pipeline_mode<synchronous>, transform_indices = @transform_10, window_bounds = array<i64: 256, 256>}, {pipeline_mode = #tpu.pipeline_mode<synchronous>, transform_indices = @transform_11, window_bounds = array<i64: 1, 256>}, {pipeline_mode = #tpu.pipeline_mode<synchronous>, transform_indices = @transform_12, window_bounds = array<i64: 1, 256>}, {pipeline_mode = #tpu.pipeline_mode<synchronous>, transform_indices = @transform_13, window_bounds = array<i64: 1, 1>}, {transform_indices = @transform_14, window_bounds = array<i64: 1024, 1>}, {transform_indices = @transform_15, window_bounds = array<i64: 1024, 1>}, {transform_indices = @transform_16, window_bounds = array<i64: 1024, 1>}, {transform_indices = @transform_17, window_bounds = array<i64: 1024, 1>}, {transform_indices = @transform_18, window_bounds = array<i64: 1024, 256>}, {transform_indices = @transform_19, window_bounds = array<i64: 1024, 256>}, {transform_indices = @transform_20, window_bounds = array<i64: 1024, 256>}, {transform_indices = @transform_21, window_bounds = array<i64: 1024, 256>}]} {
    %get3A = arith.constant 0 : index
    %get3A_0 = arith.constant 0 : index
    %get3A_1 = vector.load %arg9[%get3A, %get3A_0] : memref<128x256xf32, #tpu.memory_space<vmem>>, vector<128x256xf32>
    %get3A_2 = arith.constant 0 : index
    %get3A_3 = arith.constant 0 : index
    %get3A_4 = vector.load %arg10[%get3A_2, %get3A_3] : memref<1x256xf32, #tpu.memory_space<vmem>>, vector<1x256xf32>
    %ge3A = arith.constant 0 : i32
    %ge3A_5 = arith.cmpi sge, %arg0, %ge3A : i32
    %lt3A = arith.constant 8 : i32
    %lt3A_6 = arith.cmpi slt, %arg0, %lt3A : i32
    %and3A = arith.andi %ge3A_5, %lt3A_6 : i1
    %convert_element_type3A = arith.extui %and3A : i1 to i32
    %cond3A = arith.constant 0 : i32
    %cond3A_7 = arith.cmpi ne, %convert_element_type3A, %cond3A : i32
    scf.if %cond3A_7 {
      %get3A_64 = arith.constant 0 : index
      %get3A_65 = arith.constant 0 : index
      %get3A_66 = vector.load %arg1[%get3A_64, %get3A_65] : memref<1024x128xf32, #tpu.memory_space<vmem>>, vector<1024x128xf32>
      %get3A_67 = arith.constant 0 : index
      %get3A_68 = arith.constant 0 : index
      %get3A_69 = vector.load %arg11[%get3A_67, %get3A_68] : memref<256x256xf32, #tpu.memory_space<vmem>>, vector<256x256xf32>
      %get3A_70 = arith.constant 0 : index
      %get3A_71 = arith.constant 0 : index
      %get3A_72 = vector.load %arg12[%get3A_70, %get3A_71] : memref<1x256xf32, #tpu.memory_space<vmem>>, vector<1x256xf32>
      %get3A_73 = arith.constant 0 : index
      %get3A_74 = arith.constant 0 : index
      %get3A_75 = vector.load %arg13[%get3A_73, %get3A_74] : memref<1x256xf32, #tpu.memory_space<vmem>>, vector<1x256xf32>
      %get3A_76 = arith.constant 0 : index
      %get3A_77 = arith.constant 0 : index
      %get3A_78 = vector.load %arg14[%get3A_76, %get3A_77] : memref<1x1xf32, #tpu.memory_space<vmem>>, vector<1x1xf32>
      %dot_general3A = arith.constant dense<0.000000e+00> : vector<1024x256xf32>
      %dot_general3A_79 = tpu.matmul %get3A_66, %get3A_1, %dot_general3A {dimension_numbers = #tpu.dot_dimension_numbers<[1], [0], [0], [1], [0, 0, 1, 1], [], []>, transpose_lhs_hint = false} : vector<1024x128xf32>, vector<128x256xf32>, vector<1024x256xf32> -> vector<1024x256xf32>
      %add3A = vector.broadcast %get3A_4 : vector<1x256xf32> to vector<1024x256xf32>
      %add3A_80 = arith.addf %dot_general3A_79, %add3A : vector<1024x256xf32>
      %max3A = arith.constant 0.000000e+00 : f32
      %max3A_81 = vector.broadcast %max3A : f32 to vector<1024x256xf32>
      %max3A_82 = arith.maximumf %add3A_80, %max3A_81 : vector<1024x256xf32>
      %dot_general3A_83 = arith.constant dense<0.000000e+00> : vector<1024x256xf32>
      %dot_general3A_84 = tpu.matmul %max3A_82, %get3A_69, %dot_general3A_83 {dimension_numbers = #tpu.dot_dimension_numbers<[1], [0], [0], [1], [0, 0, 1, 1], [], []>, transpose_lhs_hint = false} : vector<1024x256xf32>, vector<256x256xf32>, vector<1024x256xf32> -> vector<1024x256xf32>
      %add3A_85 = vector.broadcast %get3A_72 : vector<1x256xf32> to vector<1024x256xf32>
      %add3A_86 = arith.addf %dot_general3A_84, %add3A_85 : vector<1024x256xf32>
      %max3A_87 = arith.constant 0.000000e+00 : f32
      %max3A_88 = vector.broadcast %max3A_87 : f32 to vector<1024x256xf32>
      %max3A_89 = arith.maximumf %add3A_86, %max3A_88 : vector<1024x256xf32>
      %mul3A = vector.broadcast %get3A_75 : vector<1x256xf32> to vector<1024x256xf32>
      %mul3A_90 = arith.mulf %max3A_89, %mul3A : vector<1024x256xf32>
      %reduce_sum3A = arith.constant dense<0.000000e+00> : vector<1024xf32>
      %reduce_sum3A_91 = vector.multi_reduction <add>, %mul3A_90, %reduce_sum3A [1] : vector<1024x256xf32> to vector<1024xf32>
      %broadcast_in_dim3A = vector.shape_cast %reduce_sum3A_91 : vector<1024xf32> to vector<1024x1xf32>
      %squeeze3A = vector.extract %get3A_78[0, 0] : f32 from vector<1x1xf32>
      %add3A_92 = vector.broadcast %squeeze3A : f32 to vector<1024x1xf32>
      %add3A_93 = arith.addf %broadcast_in_dim3A, %add3A_92 : vector<1024x1xf32>
      %swap3A = arith.constant 0 : index
      %swap3A_94 = arith.constant 0 : index
      %swap3A_95 = vector.load %arg15[%swap3A, %swap3A_94] : memref<1024x1xf32, #tpu.memory_space<vmem>>, vector<1024x1xf32>
      tpu.vector_store %arg15[%swap3A, %swap3A_94], %add3A_93 {strides = array<i32>} : memref<1024x1xf32, #tpu.memory_space<vmem>>, vector<1024x1xf32>,
    } else {
    }
    %ge3A_8 = arith.constant 8 : i32
    %ge3A_9 = arith.cmpi sge, %arg0, %ge3A_8 : i32
    %lt3A_10 = arith.constant 16 : i32
    %lt3A_11 = arith.cmpi slt, %arg0, %lt3A_10 : i32
    %and3A_12 = arith.andi %ge3A_9, %lt3A_11 : i1
    %convert_element_type3A_13 = arith.extui %and3A_12 : i1 to i32
    %cond3A_14 = arith.constant 0 : i32
    %cond3A_15 = arith.cmpi ne, %convert_element_type3A_13, %cond3A_14 : i32
    scf.if %cond3A_15 {
      %get3A_64 = arith.constant 0 : index
      %get3A_65 = arith.constant 0 : index
      %get3A_66 = vector.load %arg2[%get3A_64, %get3A_65] : memref<1024x128xf32, #tpu.memory_space<vmem>>, vector<1024x128xf32>
      %get3A_67 = arith.constant 0 : index
      %get3A_68 = arith.constant 0 : index
      %get3A_69 = vector.load %arg11[%get3A_67, %get3A_68] : memref<256x256xf32, #tpu.memory_space<vmem>>, vector<256x256xf32>
      %get3A_70 = arith.constant 0 : index
      %get3A_71 = arith.constant 0 : index
      %get3A_72 = vector.load %arg12[%get3A_70, %get3A_71] : memref<1x256xf32, #tpu.memory_space<vmem>>, vector<1x256xf32>
      %get3A_73 = arith.constant 0 : index
      %get3A_74 = arith.constant 0 : index
      %get3A_75 = vector.load %arg13[%get3A_73, %get3A_74] : memref<1x256xf32, #tpu.memory_space<vmem>>, vector<1x256xf32>
      %get3A_76 = arith.constant 0 : index
      %get3A_77 = arith.constant 0 : index
      %get3A_78 = vector.load %arg14[%get3A_76, %get3A_77] : memref<1x1xf32, #tpu.memory_space<vmem>>, vector<1x1xf32>
      %dot_general3A = arith.constant dense<0.000000e+00> : vector<1024x256xf32>
      %dot_general3A_79 = tpu.matmul %get3A_66, %get3A_1, %dot_general3A {dimension_numbers = #tpu.dot_dimension_numbers<[1], [0], [0], [1], [0, 0, 1, 1], [], []>, transpose_lhs_hint = false} : vector<1024x128xf32>, vector<128x256xf32>, vector<1024x256xf32> -> vector<1024x256xf32>
      %add3A = vector.broadcast %get3A_4 : vector<1x256xf32> to vector<1024x256xf32>
      %add3A_80 = arith.addf %dot_general3A_79, %add3A : vector<1024x256xf32>
      %max3A = arith.constant 0.000000e+00 : f32
      %max3A_81 = vector.broadcast %max3A : f32 to vector<1024x256xf32>
      %max3A_82 = arith.maximumf %add3A_80, %max3A_81 : vector<1024x256xf32>
      %dot_general3A_83 = arith.constant dense<0.000000e+00> : vector<1024x256xf32>
      %dot_general3A_84 = tpu.matmul %max3A_82, %get3A_69, %dot_general3A_83 {dimension_numbers = #tpu.dot_dimension_numbers<[1], [0], [0], [1], [0, 0, 1, 1], [], []>, transpose_lhs_hint = false} : vector<1024x256xf32>, vector<256x256xf32>, vector<1024x256xf32> -> vector<1024x256xf32>
      %add3A_85 = vector.broadcast %get3A_72 : vector<1x256xf32> to vector<1024x256xf32>
      %add3A_86 = arith.addf %dot_general3A_84, %add3A_85 : vector<1024x256xf32>
      %max3A_87 = arith.constant 0.000000e+00 : f32
      %max3A_88 = vector.broadcast %max3A_87 : f32 to vector<1024x256xf32>
      %max3A_89 = arith.maximumf %add3A_86, %max3A_88 : vector<1024x256xf32>
      %mul3A = vector.broadcast %get3A_75 : vector<1x256xf32> to vector<1024x256xf32>
      %mul3A_90 = arith.mulf %max3A_89, %mul3A : vector<1024x256xf32>
      %reduce_sum3A = arith.constant dense<0.000000e+00> : vector<1024xf32>
      %reduce_sum3A_91 = vector.multi_reduction <add>, %mul3A_90, %reduce_sum3A [1] : vector<1024x256xf32> to vector<1024xf32>
      %broadcast_in_dim3A = vector.shape_cast %reduce_sum3A_91 : vector<1024xf32> to vector<1024x1xf32>
      %squeeze3A = vector.extract %get3A_78[0, 0] : f32 from vector<1x1xf32>
      %add3A_92 = vector.broadcast %squeeze3A : f32 to vector<1024x1xf32>
      %add3A_93 = arith.addf %broadcast_in_dim3A, %add3A_92 : vector<1024x1xf32>
      %swap3A = arith.constant 0 : index
      %swap3A_94 = arith.constant 0 : index
      %swap3A_95 = vector.load %arg16[%swap3A, %swap3A_94] : memref<1024x1xf32, #tpu.memory_space<vmem>>, vector<1024x1xf32>
      tpu.vector_store %arg16[%swap3A, %swap3A_94], %add3A_93 {strides = array<i32>} : memref<1024x1xf32, #tpu.memory_space<vmem>>, vector<1024x1xf32>,
    } else {
    }
    %ge3A_16 = arith.constant 16 : i32
    %ge3A_17 = arith.cmpi sge, %arg0, %ge3A_16 : i32
    %lt3A_18 = arith.constant 32 : i32
    %lt3A_19 = arith.cmpi slt, %arg0, %lt3A_18 : i32
    %and3A_20 = arith.andi %ge3A_17, %lt3A_19 : i1
    %convert_element_type3A_21 = arith.extui %and3A_20 : i1 to i32
    %cond3A_22 = arith.constant 0 : i32
    %cond3A_23 = arith.cmpi ne, %convert_element_type3A_21, %cond3A_22 : i32
    scf.if %cond3A_23 {
      %get3A_64 = arith.constant 0 : index
      %get3A_65 = arith.constant 0 : index
      %get3A_66 = vector.load %arg3[%get3A_64, %get3A_65] : memref<1024x128xf32, #tpu.memory_space<vmem>>, vector<1024x128xf32>
      %get3A_67 = arith.constant 0 : index
      %get3A_68 = arith.constant 0 : index
      %get3A_69 = vector.load %arg11[%get3A_67, %get3A_68] : memref<256x256xf32, #tpu.memory_space<vmem>>, vector<256x256xf32>
      %get3A_70 = arith.constant 0 : index
      %get3A_71 = arith.constant 0 : index
      %get3A_72 = vector.load %arg12[%get3A_70, %get3A_71] : memref<1x256xf32, #tpu.memory_space<vmem>>, vector<1x256xf32>
      %get3A_73 = arith.constant 0 : index
      %get3A_74 = arith.constant 0 : index
      %get3A_75 = vector.load %arg13[%get3A_73, %get3A_74] : memref<1x256xf32, #tpu.memory_space<vmem>>, vector<1x256xf32>
      %get3A_76 = arith.constant 0 : index
      %get3A_77 = arith.constant 0 : index
      %get3A_78 = vector.load %arg14[%get3A_76, %get3A_77] : memref<1x1xf32, #tpu.memory_space<vmem>>, vector<1x1xf32>
      %dot_general3A = arith.constant dense<0.000000e+00> : vector<1024x256xf32>
      %dot_general3A_79 = tpu.matmul %get3A_66, %get3A_1, %dot_general3A {dimension_numbers = #tpu.dot_dimension_numbers<[1], [0], [0], [1], [0, 0, 1, 1], [], []>, transpose_lhs_hint = false} : vector<1024x128xf32>, vector<128x256xf32>, vector<1024x256xf32> -> vector<1024x256xf32>
      %add3A = vector.broadcast %get3A_4 : vector<1x256xf32> to vector<1024x256xf32>
      %add3A_80 = arith.addf %dot_general3A_79, %add3A : vector<1024x256xf32>
      %max3A = arith.constant 0.000000e+00 : f32
      %max3A_81 = vector.broadcast %max3A : f32 to vector<1024x256xf32>
      %max3A_82 = arith.maximumf %add3A_80, %max3A_81 : vector<1024x256xf32>
      %dot_general3A_83 = arith.constant dense<0.000000e+00> : vector<1024x256xf32>
      %dot_general3A_84 = tpu.matmul %max3A_82, %get3A_69, %dot_general3A_83 {dimension_numbers = #tpu.dot_dimension_numbers<[1], [0], [0], [1], [0, 0, 1, 1], [], []>, transpose_lhs_hint = false} : vector<1024x256xf32>, vector<256x256xf32>, vector<1024x256xf32> -> vector<1024x256xf32>
      %add3A_85 = vector.broadcast %get3A_72 : vector<1x256xf32> to vector<1024x256xf32>
      %add3A_86 = arith.addf %dot_general3A_84, %add3A_85 : vector<1024x256xf32>
      %max3A_87 = arith.constant 0.000000e+00 : f32
      %max3A_88 = vector.broadcast %max3A_87 : f32 to vector<1024x256xf32>
      %max3A_89 = arith.maximumf %add3A_86, %max3A_88 : vector<1024x256xf32>
      %mul3A = vector.broadcast %get3A_75 : vector<1x256xf32> to vector<1024x256xf32>
      %mul3A_90 = arith.mulf %max3A_89, %mul3A : vector<1024x256xf32>
      %reduce_sum3A = arith.constant dense<0.000000e+00> : vector<1024xf32>
      %reduce_sum3A_91 = vector.multi_reduction <add>, %mul3A_90, %reduce_sum3A [1] : vector<1024x256xf32> to vector<1024xf32>
      %broadcast_in_dim3A = vector.shape_cast %reduce_sum3A_91 : vector<1024xf32> to vector<1024x1xf32>
      %squeeze3A = vector.extract %get3A_78[0, 0] : f32 from vector<1x1xf32>
      %add3A_92 = vector.broadcast %squeeze3A : f32 to vector<1024x1xf32>
      %add3A_93 = arith.addf %broadcast_in_dim3A, %add3A_92 : vector<1024x1xf32>
      %swap3A = arith.constant 0 : index
      %swap3A_94 = arith.constant 0 : index
      %swap3A_95 = vector.load %arg17[%swap3A, %swap3A_94] : memref<1024x1xf32, #tpu.memory_space<vmem>>, vector<1024x1xf32>
      tpu.vector_store %arg17[%swap3A, %swap3A_94], %add3A_93 {strides = array<i32>} : memref<1024x1xf32, #tpu.memory_space<vmem>>, vector<1024x1xf32>,
    } else {
    }
    %ge3A_24 = arith.constant 32 : i32
    %ge3A_25 = arith.cmpi sge, %arg0, %ge3A_24 : i32
    %lt3A_26 = arith.constant 48 : i32
    %lt3A_27 = arith.cmpi slt, %arg0, %lt3A_26 : i32
    %and3A_28 = arith.andi %ge3A_25, %lt3A_27 : i1
    %convert_element_type3A_29 = arith.extui %and3A_28 : i1 to i32
    %cond3A_30 = arith.constant 0 : i32
    %cond3A_31 = arith.cmpi ne, %convert_element_type3A_29, %cond3A_30 : i32
    scf.if %cond3A_31 {
      %get3A_64 = arith.constant 0 : index
      %get3A_65 = arith.constant 0 : index
      %get3A_66 = vector.load %arg4[%get3A_64, %get3A_65] : memref<1024x128xf32, #tpu.memory_space<vmem>>, vector<1024x128xf32>
      %get3A_67 = arith.constant 0 : index
      %get3A_68 = arith.constant 0 : index
      %get3A_69 = vector.load %arg11[%get3A_67, %get3A_68] : memref<256x256xf32, #tpu.memory_space<vmem>>, vector<256x256xf32>
      %get3A_70 = arith.constant 0 : index
      %get3A_71 = arith.constant 0 : index
      %get3A_72 = vector.load %arg12[%get3A_70, %get3A_71] : memref<1x256xf32, #tpu.memory_space<vmem>>, vector<1x256xf32>
      %get3A_73 = arith.constant 0 : index
      %get3A_74 = arith.constant 0 : index
      %get3A_75 = vector.load %arg13[%get3A_73, %get3A_74] : memref<1x256xf32, #tpu.memory_space<vmem>>, vector<1x256xf32>
      %get3A_76 = arith.constant 0 : index
      %get3A_77 = arith.constant 0 : index
      %get3A_78 = vector.load %arg14[%get3A_76, %get3A_77] : memref<1x1xf32, #tpu.memory_space<vmem>>, vector<1x1xf32>
      %dot_general3A = arith.constant dense<0.000000e+00> : vector<1024x256xf32>
      %dot_general3A_79 = tpu.matmul %get3A_66, %get3A_1, %dot_general3A {dimension_numbers = #tpu.dot_dimension_numbers<[1], [0], [0], [1], [0, 0, 1, 1], [], []>, transpose_lhs_hint = false} : vector<1024x128xf32>, vector<128x256xf32>, vector<1024x256xf32> -> vector<1024x256xf32>
      %add3A = vector.broadcast %get3A_4 : vector<1x256xf32> to vector<1024x256xf32>
      %add3A_80 = arith.addf %dot_general3A_79, %add3A : vector<1024x256xf32>
      %max3A = arith.constant 0.000000e+00 : f32
      %max3A_81 = vector.broadcast %max3A : f32 to vector<1024x256xf32>
      %max3A_82 = arith.maximumf %add3A_80, %max3A_81 : vector<1024x256xf32>
      %dot_general3A_83 = arith.constant dense<0.000000e+00> : vector<1024x256xf32>
      %dot_general3A_84 = tpu.matmul %max3A_82, %get3A_69, %dot_general3A_83 {dimension_numbers = #tpu.dot_dimension_numbers<[1], [0], [0], [1], [0, 0, 1, 1], [], []>, transpose_lhs_hint = false} : vector<1024x256xf32>, vector<256x256xf32>, vector<1024x256xf32> -> vector<1024x256xf32>
      %add3A_85 = vector.broadcast %get3A_72 : vector<1x256xf32> to vector<1024x256xf32>
      %add3A_86 = arith.addf %dot_general3A_84, %add3A_85 : vector<1024x256xf32>
      %max3A_87 = arith.constant 0.000000e+00 : f32
      %max3A_88 = vector.broadcast %max3A_87 : f32 to vector<1024x256xf32>
      %max3A_89 = arith.maximumf %add3A_86, %max3A_88 : vector<1024x256xf32>
      %mul3A = vector.broadcast %get3A_75 : vector<1x256xf32> to vector<1024x256xf32>
      %mul3A_90 = arith.mulf %max3A_89, %mul3A : vector<1024x256xf32>
      %reduce_sum3A = arith.constant dense<0.000000e+00> : vector<1024xf32>
      %reduce_sum3A_91 = vector.multi_reduction <add>, %mul3A_90, %reduce_sum3A [1] : vector<1024x256xf32> to vector<1024xf32>
      %broadcast_in_dim3A = vector.shape_cast %reduce_sum3A_91 : vector<1024xf32> to vector<1024x1xf32>
      %squeeze3A = vector.extract %get3A_78[0, 0] : f32 from vector<1x1xf32>
      %add3A_92 = vector.broadcast %squeeze3A : f32 to vector<1024x1xf32>
      %add3A_93 = arith.addf %broadcast_in_dim3A, %add3A_92 : vector<1024x1xf32>
      %swap3A = arith.constant 0 : index
      %swap3A_94 = arith.constant 0 : index
      %swap3A_95 = vector.load %arg18[%swap3A, %swap3A_94] : memref<1024x1xf32, #tpu.memory_space<vmem>>, vector<1024x1xf32>
      tpu.vector_store %arg18[%swap3A, %swap3A_94], %add3A_93 {strides = array<i32>} : memref<1024x1xf32, #tpu.memory_space<vmem>>, vector<1024x1xf32>,
    } else {
    }
    %ge3A_32 = arith.constant 48 : i32
    %ge3A_33 = arith.cmpi sge, %arg0, %ge3A_32 : i32
    %lt3A_34 = arith.constant 50 : i32
    %lt3A_35 = arith.cmpi slt, %arg0, %lt3A_34 : i32
    %and3A_36 = arith.andi %ge3A_33, %lt3A_35 : i1
    %convert_element_type3A_37 = arith.extui %and3A_36 : i1 to i32
    %cond3A_38 = arith.constant 0 : i32
    %cond3A_39 = arith.cmpi ne, %convert_element_type3A_37, %cond3A_38 : i32
    scf.if %cond3A_39 {
      %get3A_64 = arith.constant 0 : index
      %get3A_65 = arith.constant 0 : index
      %get3A_66 = vector.load %arg5[%get3A_64, %get3A_65] : memref<1024x128xf32, #tpu.memory_space<vmem>>, vector<1024x128xf32>
      %dot_general3A = arith.constant dense<0.000000e+00> : vector<1024x256xf32>
      %dot_general3A_67 = tpu.matmul %get3A_66, %get3A_1, %dot_general3A {dimension_numbers = #tpu.dot_dimension_numbers<[1], [0], [0], [1], [0, 0, 1, 1], [], []>, transpose_lhs_hint = false} : vector<1024x128xf32>, vector<128x256xf32>, vector<1024x256xf32> -> vector<1024x256xf32>
      %add3A = vector.broadcast %get3A_4 : vector<1x256xf32> to vector<1024x256xf32>
      %add3A_68 = arith.addf %dot_general3A_67, %add3A : vector<1024x256xf32>
      %max3A = arith.constant 0.000000e+00 : f32
      %max3A_69 = vector.broadcast %max3A : f32 to vector<1024x256xf32>
      %max3A_70 = arith.maximumf %add3A_68, %max3A_69 : vector<1024x256xf32>
      %swap3A = arith.constant 0 : index
      %swap3A_71 = arith.constant 0 : index
      %swap3A_72 = vector.load %arg19[%swap3A, %swap3A_71] : memref<1024x256xf32, #tpu.memory_space<vmem>>, vector<1024x256xf32>
      tpu.vector_store %arg19[%swap3A, %swap3A_71], %max3A_70 {strides = array<i32>} : memref<1024x256xf32, #tpu.memory_space<vmem>>, vector<1024x256xf32>,
    } else {
    }
    %ge3A_40 = arith.constant 50 : i32
    %ge3A_41 = arith.cmpi sge, %arg0, %ge3A_40 : i32
    %lt3A_42 = arith.constant 52 : i32
    %lt3A_43 = arith.cmpi slt, %arg0, %lt3A_42 : i32
    %and3A_44 = arith.andi %ge3A_41, %lt3A_43 : i1
    %convert_element_type3A_45 = arith.extui %and3A_44 : i1 to i32
    %cond3A_46 = arith.constant 0 : i32
    %cond3A_47 = arith.cmpi ne, %convert_element_type3A_45, %cond3A_46 : i32
    scf.if %cond3A_47 {
      %get3A_64 = arith.constant 0 : index
      %get3A_65 = arith.constant 0 : index
      %get3A_66 = vector.load %arg6[%get3A_64, %get3A_65] : memref<1024x128xf32, #tpu.memory_space<vmem>>, vector<1024x128xf32>
      %dot_general3A = arith.constant dense<0.000000e+00> : vector<1024x256xf32>
      %dot_general3A_67 = tpu.matmul %get3A_66, %get3A_1, %dot_general3A {dimension_numbers = #tpu.dot_dimension_numbers<[1], [0], [0], [1], [0, 0, 1, 1], [], []>, transpose_lhs_hint = false} : vector<1024x128xf32>, vector<128x256xf32>, vector<1024x256xf32> -> vector<1024x256xf32>
      %add3A = vector.broadcast %get3A_4 : vector<1x256xf32> to vector<1024x256xf32>
      %add3A_68 = arith.addf %dot_general3A_67, %add3A : vector<1024x256xf32>
      %max3A = arith.constant 0.000000e+00 : f32
      %max3A_69 = vector.broadcast %max3A : f32 to vector<1024x256xf32>
      %max3A_70 = arith.maximumf %add3A_68, %max3A_69 : vector<1024x256xf32>
      %swap3A = arith.constant 0 : index
      %swap3A_71 = arith.constant 0 : index
      %swap3A_72 = vector.load %arg20[%swap3A, %swap3A_71] : memref<1024x256xf32, #tpu.memory_space<vmem>>, vector<1024x256xf32>
      tpu.vector_store %arg20[%swap3A, %swap3A_71], %max3A_70 {strides = array<i32>} : memref<1024x256xf32, #tpu.memory_space<vmem>>, vector<1024x256xf32>,
    } else {
    }
    %ge3A_48 = arith.constant 52 : i32
    %ge3A_49 = arith.cmpi sge, %arg0, %ge3A_48 : i32
    %lt3A_50 = arith.constant 56 : i32
    %lt3A_51 = arith.cmpi slt, %arg0, %lt3A_50 : i32
    %and3A_52 = arith.andi %ge3A_49, %lt3A_51 : i1
    %convert_element_type3A_53 = arith.extui %and3A_52 : i1 to i32
    %cond3A_54 = arith.constant 0 : i32
    %cond3A_55 = arith.cmpi ne, %convert_element_type3A_53, %cond3A_54 : i32
    scf.if %cond3A_55 {
      %get3A_64 = arith.constant 0 : index
      %get3A_65 = arith.constant 0 : index
      %get3A_66 = vector.load %arg7[%get3A_64, %get3A_65] : memref<1024x128xf32, #tpu.memory_space<vmem>>, vector<1024x128xf32>
      %dot_general3A = arith.constant dense<0.000000e+00> : vector<1024x256xf32>
      %dot_general3A_67 = tpu.matmul %get3A_66, %get3A_1, %dot_general3A {dimension_numbers = #tpu.dot_dimension_numbers<[1], [0], [0], [1], [0, 0, 1, 1], [], []>, transpose_lhs_hint = false} : vector<1024x128xf32>, vector<128x256xf32>, vector<1024x256xf32> -> vector<1024x256xf32>
      %add3A = vector.broadcast %get3A_4 : vector<1x256xf32> to vector<1024x256xf32>
      %add3A_68 = arith.addf %dot_general3A_67, %add3A : vector<1024x256xf32>
      %max3A = arith.constant 0.000000e+00 : f32
      %max3A_69 = vector.broadcast %max3A : f32 to vector<1024x256xf32>
      %max3A_70 = arith.maximumf %add3A_68, %max3A_69 : vector<1024x256xf32>
      %swap3A = arith.constant 0 : index
      %swap3A_71 = arith.constant 0 : index
      %swap3A_72 = vector.load %arg21[%swap3A, %swap3A_71] : memref<1024x256xf32, #tpu.memory_space<vmem>>, vector<1024x256xf32>
      tpu.vector_store %arg21[%swap3A, %swap3A_71], %max3A_70 {strides = array<i32>} : memref<1024x256xf32, #tpu.memory_space<vmem>>, vector<1024x256xf32>,
    } else {
    }
    %ge3A_56 = arith.constant 56 : i32
    %ge3A_57 = arith.cmpi sge, %arg0, %ge3A_56 : i32
    %lt3A_58 = arith.constant 60 : i32
    %lt3A_59 = arith.cmpi slt, %arg0, %lt3A_58 : i32
    %and3A_60 = arith.andi %ge3A_57, %lt3A_59 : i1
    %convert_element_type3A_61 = arith.extui %and3A_60 : i1 to i32
    %cond3A_62 = arith.constant 0 : i32
    %cond3A_63 = arith.cmpi ne, %convert_element_type3A_61, %cond3A_62 : i32
    scf.if %cond3A_63 {
      %get3A_64 = arith.constant 0 : index
      %get3A_65 = arith.constant 0 : index
      %get3A_66 = vector.load %arg8[%get3A_64, %get3A_65] : memref<1024x128xf32, #tpu.memory_space<vmem>>, vector<1024x128xf32>
      %dot_general3A = arith.constant dense<0.000000e+00> : vector<1024x256xf32>
      %dot_general3A_67 = tpu.matmul %get3A_66, %get3A_1, %dot_general3A {dimension_numbers = #tpu.dot_dimension_numbers<[1], [0], [0], [1], [0, 0, 1, 1], [], []>, transpose_lhs_hint = false} : vector<1024x128xf32>, vector<128x256xf32>, vector<1024x256xf32> -> vector<1024x256xf32>
      %add3A = vector.broadcast %get3A_4 : vector<1x256xf32> to vector<1024x256xf32>
      %add3A_68 = arith.addf %dot_general3A_67, %add3A : vector<1024x256xf32>
      %max3A = arith.constant 0.000000e+00 : f32
      %max3A_69 = vector.broadcast %max3A : f32 to vector<1024x256xf32>
      %max3A_70 = arith.maximumf %add3A_68, %max3A_69 : vector<1024x256xf32>
      %swap3A = arith.constant 0 : index
      %swap3A_71 = arith.constant 0 : index
      %swap3A_72 = vector.load %arg22[%swap3A, %swap3A_71] : memref<1024x256xf32, #tpu.memory_space<vmem>>, vector<1024x256xf32>
      tpu.vector_store %arg22[%swap3A, %swap3A_71], %max3A_70 {strides = array<i32>} : memref<1024x256xf32, #tpu.memory_space<vmem>>, vector<1024x256xf32>,
    } else {
    }
    return
  }
  func.func @transform_0(%arg0: i32) -> (i32, i32) {
    %sub3A = arith.constant 0 : i32
    %sub3A_0 = arith.subi %arg0, %sub3A : i32
    %max3A = arith.constant 0 : i32
    %max3A_1 = arith.maxsi %sub3A_0, %max3A : i32
    %min3A = arith.constant 7 : i32
    %min3A_2 = arith.minsi %max3A_1, %min3A : i32
    %c0_i32 = arith.constant 0 : i32
    %c0_i32_3 = arith.constant 0 : i32
    return %min3A_2, %c0_i32 : i32, i32
  }
  func.func @transform_1(%arg0: i32) -> (i32, i32) {
    %sub3A = arith.constant 8 : i32
    %sub3A_0 = arith.subi %arg0, %sub3A : i32
    %max3A = arith.constant 0 : i32
    %max3A_1 = arith.maxsi %sub3A_0, %max3A : i32
    %min3A = arith.constant 7 : i32
    %min3A_2 = arith.minsi %max3A_1, %min3A : i32
    %c0_i32 = arith.constant 0 : i32
    %c0_i32_3 = arith.constant 0 : i32
    return %min3A_2, %c0_i32 : i32, i32
  }
  func.func @transform_2(%arg0: i32) -> (i32, i32) {
    %sub3A = arith.constant 16 : i32
    %sub3A_0 = arith.subi %arg0, %sub3A : i32
    %max3A = arith.constant 0 : i32
    %max3A_1 = arith.maxsi %sub3A_0, %max3A : i32
    %min3A = arith.constant 15 : i32
    %min3A_2 = arith.minsi %max3A_1, %min3A : i32
    %c0_i32 = arith.constant 0 : i32
    %c0_i32_3 = arith.constant 0 : i32
    return %min3A_2, %c0_i32 : i32, i32
  }
  func.func @transform_3(%arg0: i32) -> (i32, i32) {
    %sub3A = arith.constant 32 : i32
    %sub3A_0 = arith.subi %arg0, %sub3A : i32
    %max3A = arith.constant 0 : i32
    %max3A_1 = arith.maxsi %sub3A_0, %max3A : i32
    %min3A = arith.constant 15 : i32
    %min3A_2 = arith.minsi %max3A_1, %min3A : i32
    %c0_i32 = arith.constant 0 : i32
    %c0_i32_3 = arith.constant 0 : i32
    return %min3A_2, %c0_i32 : i32, i32
  }
  func.func @transform_4(%arg0: i32) -> (i32, i32) {
    %sub3A = arith.constant 48 : i32
    %sub3A_0 = arith.subi %arg0, %sub3A : i32
    %max3A = arith.constant 0 : i32
    %max3A_1 = arith.maxsi %sub3A_0, %max3A : i32
    %min3A = arith.constant 1 : i32
    %min3A_2 = arith.minsi %max3A_1, %min3A : i32
    %c0_i32 = arith.constant 0 : i32
    %c0_i32_3 = arith.constant 0 : i32
    return %min3A_2, %c0_i32 : i32, i32
  }
  func.func @transform_5(%arg0: i32) -> (i32, i32) {
    %sub3A = arith.constant 50 : i32
    %sub3A_0 = arith.subi %arg0, %sub3A : i32
    %max3A = arith.constant 0 : i32
    %max3A_1 = arith.maxsi %sub3A_0, %max3A : i32
    %min3A = arith.constant 1 : i32
    %min3A_2 = arith.minsi %max3A_1, %min3A : i32
    %c0_i32 = arith.constant 0 : i32
    %c0_i32_3 = arith.constant 0 : i32
    return %min3A_2, %c0_i32 : i32, i32
  }
  func.func @transform_6(%arg0: i32) -> (i32, i32) {
    %sub3A = arith.constant 52 : i32
    %sub3A_0 = arith.subi %arg0, %sub3A : i32
    %max3A = arith.constant 0 : i32
    %max3A_1 = arith.maxsi %sub3A_0, %max3A : i32
    %min3A = arith.constant 3 : i32
    %min3A_2 = arith.minsi %max3A_1, %min3A : i32
    %c0_i32 = arith.constant 0 : i32
    %c0_i32_3 = arith.constant 0 : i32
    return %min3A_2, %c0_i32 : i32, i32
  }
  func.func @transform_7(%arg0: i32) -> (i32, i32) {
    %sub3A = arith.constant 56 : i32
    %sub3A_0 = arith.subi %arg0, %sub3A : i32
    %max3A = arith.constant 0 : i32
    %max3A_1 = arith.maxsi %sub3A_0, %max3A : i32
    %min3A = arith.constant 3 : i32
    %min3A_2 = arith.minsi %max3A_1, %min3A : i32
    %c0_i32 = arith.constant 0 : i32
    %c0_i32_3 = arith.constant 0 : i32
    return %min3A_2, %c0_i32 : i32, i32
  }
  func.func @transform_8(%arg0: i32) -> (i32, i32) {
    %c0_i32 = arith.constant 0 : i32
    %c0_i32_0 = arith.constant 0 : i32
    %c0_i32_1 = arith.constant 0 : i32
    return %c0_i32, %c0_i32_0 : i32, i32
  }
  func.func @transform_9(%arg0: i32) -> (i32, i32) {
    %c0_i32 = arith.constant 0 : i32
    %c0_i32_0 = arith.constant 0 : i32
    %c0_i32_1 = arith.constant 0 : i32
    return %c0_i32, %c0_i32_0 : i32, i32
  }
  func.func @transform_10(%arg0: i32) -> (i32, i32) {
    %c0_i32 = arith.constant 0 : i32
    %c0_i32_0 = arith.constant 0 : i32
    %c0_i32_1 = arith.constant 0 : i32
    return %c0_i32, %c0_i32_0 : i32, i32
  }
  func.func @transform_11(%arg0: i32) -> (i32, i32) {
    %c0_i32 = arith.constant 0 : i32
    %c0_i32_0 = arith.constant 0 : i32
    %c0_i32_1 = arith.constant 0 : i32
    return %c0_i32, %c0_i32_0 : i32, i32
  }
  func.func @transform_12(%arg0: i32) -> (i32, i32) {
    %c0_i32 = arith.constant 0 : i32
    %c0_i32_0 = arith.constant 0 : i32
    %c0_i32_1 = arith.constant 0 : i32
    return %c0_i32, %c0_i32_0 : i32, i32
  }
  func.func @transform_13(%arg0: i32) -> (i32, i32) {
    %c0_i32 = arith.constant 0 : i32
    %c0_i32_0 = arith.constant 0 : i32
    %c0_i32_1 = arith.constant 0 : i32
    return %c0_i32, %c0_i32_0 : i32, i32
  }
  func.func @transform_14(%arg0: i32) -> (i32, i32) {
    %sub3A = arith.constant 0 : i32
    %sub3A_0 = arith.subi %arg0, %sub3A : i32
    %max3A = arith.constant 0 : i32
    %max3A_1 = arith.maxsi %sub3A_0, %max3A : i32
    %min3A = arith.constant 7 : i32
    %min3A_2 = arith.minsi %max3A_1, %min3A : i32
    %c0_i32 = arith.constant 0 : i32
    %c0_i32_3 = arith.constant 0 : i32
    return %min3A_2, %c0_i32 : i32, i32
  }
  func.func @transform_15(%arg0: i32) -> (i32, i32) {
    %sub3A = arith.constant 8 : i32
    %sub3A_0 = arith.subi %arg0, %sub3A : i32
    %max3A = arith.constant 0 : i32
    %max3A_1 = arith.maxsi %sub3A_0, %max3A : i32
    %min3A = arith.constant 7 : i32
    %min3A_2 = arith.minsi %max3A_1, %min3A : i32
    %c0_i32 = arith.constant 0 : i32
    %c0_i32_3 = arith.constant 0 : i32
    return %min3A_2, %c0_i32 : i32, i32
  }
  func.func @transform_16(%arg0: i32) -> (i32, i32) {
    %sub3A = arith.constant 16 : i32
    %sub3A_0 = arith.subi %arg0, %sub3A : i32
    %max3A = arith.constant 0 : i32
    %max3A_1 = arith.maxsi %sub3A_0, %max3A : i32
    %min3A = arith.constant 15 : i32
    %min3A_2 = arith.minsi %max3A_1, %min3A : i32
    %c0_i32 = arith.constant 0 : i32
    %c0_i32_3 = arith.constant 0 : i32
    return %min3A_2, %c0_i32 : i32, i32
  }
  func.func @transform_17(%arg0: i32) -> (i32, i32) {
    %sub3A = arith.constant 32 : i32
    %sub3A_0 = arith.subi %arg0, %sub3A : i32
    %max3A = arith.constant 0 : i32
    %max3A_1 = arith.maxsi %sub3A_0, %max3A : i32
    %min3A = arith.constant 15 : i32
    %min3A_2 = arith.minsi %max3A_1, %min3A : i32
    %c0_i32 = arith.constant 0 : i32
    %c0_i32_3 = arith.constant 0 : i32
    return %min3A_2, %c0_i32 : i32, i32
  }
  func.func @transform_18(%arg0: i32) -> (i32, i32) {
    %sub3A = arith.constant 48 : i32
    %sub3A_0 = arith.subi %arg0, %sub3A : i32
    %max3A = arith.constant 0 : i32
    %max3A_1 = arith.maxsi %sub3A_0, %max3A : i32
    %min3A = arith.constant 1 : i32
    %min3A_2 = arith.minsi %max3A_1, %min3A : i32
    %c0_i32 = arith.constant 0 : i32
    %c0_i32_3 = arith.constant 0 : i32
    return %min3A_2, %c0_i32 : i32, i32
  }
  func.func @transform_19(%arg0: i32) -> (i32, i32) {
    %sub3A = arith.constant 50 : i32
    %sub3A_0 = arith.subi %arg0, %sub3A : i32
    %max3A = arith.constant 0 : i32
    %max3A_1 = arith.maxsi %sub3A_0, %max3A : i32
    %min3A = arith.constant 1 : i32
    %min3A_2 = arith.minsi %max3A_1, %min3A : i32
    %c0_i32 = arith.constant 0 : i32
    %c0_i32_3 = arith.constant 0 : i32
    return %min3A_2, %c0_i32 : i32, i32
  }
  func.func @transform_20(%arg0: i32) -> (i32, i32) {
    %sub3A = arith.constant 52 : i32
    %sub3A_0 = arith.subi %arg0, %sub3A : i32
    %max3A = arith.constant 0 : i32
    %max3A_1 = arith.maxsi %sub3A_0, %max3A : i32
    %min3A = arith.constant 3 : i32
    %min3A_2 = arith.minsi %max3A_1, %min3A : i32
    %c0_i32 = arith.constant 0 : i32
    %c0_i32_3 = arith.constant 0 : i32
    return %min3A_2, %c0_i32 : i32, i32
  }
  func.func @transform_21(%arg0: i32) -> (i32, i32) {
    %sub3A = arith.constant 56 : i32
    %sub3A_0 = arith.subi %arg0, %sub3A : i32
    %max3A = arith.constant 0 : i32
    %max3A_1 = arith.maxsi %sub3A_0, %max3A : i32
    %min3A = arith.constant 3 : i32
    %min3A_2 = arith.minsi %max3A_1, %min3A : i32
    %c0_i32 = arith.constant 0 : i32
    %c0_i32_3 = arith.constant 0 : i32
    return %min3A_2, %c0_i32 : i32, i32
  }
}

</mosaic_0001>

<sc_bundles>
// kernel: kernel.4.cloned.1.call-start
scs
__scs_entry_jumppad:
0x0: {  	(pc) =	sbr.rel $0x88, $3  }
0x1: {  	(tag) =	ssettag $0x0;
	lr =	simm.s32 $0x1  }
0x2: {  	[smem:$0x3F93] =	sst lr;
	_ =	strace $0xD0000000  }
0x3: {  	_ = 	snop  }
0x4: {  	_ = 	snop  }
0x5: {  	_ = 	snop  }
0x6: {  	_ = 	snop  }
0x7: {  	_ = 	snop  }
__scs_overlays_trampoline_lowered:
0x8: {  	[smem:$0x3FA2] =	sst s0  }
0x9: {  	[smem:$0x3FA3] =	sst s1  }
0xa: {  	[smem:$0x3FA4] =	sst s2  }
0xb: {  	[smem:$0x3FA5] =	sst s3  }
0xc: {  	[smem:$0x3FA6] =	sst s4  }
0xd: {  	[smem:$0x3FA7] =	sst s5  }
0xe: {  	[smem:$0x3FA8] =	sst s6  }
0xf: {  	[smem:$0x3FA9] =	sst s7  }
0x10: {  	[smem:$0x3FAA] =	sst s8  }
0x11: {  	[smem:$0x3FAB] =	sst s9;
	s0 =	simm.s32 @!p0 $0x0  }
0x12: {  	s1 =	sld [smem:$0x3F91];
	s0 =	simm.s32 @p0 $0x1  }
0x13: {  	[smem:$0x3FAC] =	sst s0;
	s0 =	simm.s32 @!p1 $0x0  }
0x14: {  	s2 =	sld [smem:$0x3F90];
	s0 =	simm.s32 @p1 $0x1  }
0x15: {  	[smem:$0x3FAD] =	sst s0;
	s0 =	simm.s32 @!p2 $0x0  }
0x16: {  	s3 =	sld [smem:$0x3FDB];
	s0 =	simm.s32 @p2 $0x1  }
0x17: {  	s4 =	simm.s32 $0x1BF5;
	[smem:$0x3FAF] =	sst s0  }
0x18: {  	s0 =	sld [smem:$0x3F92];
	_ =	swait.ge [sflag:s4], $0x0  }
0x19: {  	s7 =	sld [smem:$0x3F93]  }
0x1a: {  	s8 =	sadd.s32 $0xFFFFE003, lr  }
0x1b: {  	s9 =	sadd.s32 $0xFFFFFEF7, lr;
	s5 =	simm.s32 $0xFFFFFFFF;
	p2 =	slt.u32 s8, $0xFFFFF086  }
0x1c: {  	p1 =	slt.u32 s9, $0xF7A;
	s5 =	simm.s32 @!p2 $0x0  }
0x1d: {  	s5 =	simm.s32 @p1 $0x1;
	p0 =	seq.s32 s7, s2  }
0x1e: {  	s7 =	smul.u32 @!p0 $0xF7A, s2;
	p2 =	seq.s32 @!p0 s5, $0x0  }
0x1f: {  	s9 =	smul.u32 $0xF7A, s1;
	s8 =	simm.s32 @!p0 $0x1BF5;
	p2 =	por !p2, p0  }
0x20: {  	[sflag:s8] =	ssyncset.s32 @!p0 $0xFFFFF086;
	s6 =	sadd.s32 @!p0 s3, s7;
	s7 =	simm.s32 @!p0 $0x108  }
0x21: {  	s3 =	sadd.s32 s3, s9;
	s6 =	sadd.s32 @!p0 $0x88, s6;
	s7 =	simm.s32 @p2 $0x1082  }
0x22: {  	[simem:s7], [sflag:s8] =	dma.local @!p0 [hbm:s6], $0xF7A  }
0x23: {  	s9 =	sor.u32 $0xD0000000, s2;
	s6 =	simm.s32 $0x108;
	_ =	swait.ge @!p0 [sflag:s8], $0x0  }
0x24: {  	s3 =	sadd.s32 $0x88, s3;
	s6 =	simm.s32 @!p1 $0x1082;
	[sflag:s4] =	ssyncset.s32 $0xFFFFF086  }
0x25: {  	[simem:s6], [sflag:s4] =	dma.local [hbm:s3], $0xF7A  }
0x26: {  	[smem:$0x3F93] =	sst s1;
	(tag) =	ssettag s2;
	_ =	strace s9  }
0x27: {  	s1 =	sld [smem:$0x3FA3]  }
0x28: {  	s2 =	sld [smem:$0x3FA4]  }
0x29: {  	s4 =	sld [smem:$0x3FA6]  }
0x2a: {  	p0 =	seq.s32 s5, $0x0;
	s5 =	sld [smem:$0x3FA7]  }
0x2b: {  	s6 =	sld [smem:$0x3FA8]  }
0x2c: {  	s7 =	sld [smem:$0x3FA9]  }
0x2d: {  	s3 =	simm.s32 $0x108;
	s8 =	sld [smem:$0x3FAA]  }
0x2e: {  	s3 =	simm.s32 @!p0 $0x1082;
	s9 =	sld [smem:$0x3FAB]  }
0x2f: {  	lr =	sadd.s32 s0, s3;
	s0 =	sld [smem:$0x3FA2]  }
0x30: {  	s3 =	sld [smem:$0x3FA5]  }
0x31: {  	[smem:$0x3FAE] =	sst s10  }
0x32: {  	s10 =	sld [smem:$0x3FAC];
	_ =	sdelay $0x3  }
0x33: {  	p0 =	seq.s32 s10, $0x1;
	s10 =	sld [smem:$0x3FAE];
	_ =	sdelay $0x3  }
0x34: {  	[smem:$0x3FAE] =	sst s10  }
0x35: {  	s10 =	sld [smem:$0x3FAD];
	_ =	sdelay $0x3  }
0x36: {  	p1 =	seq.s32 s10, $0x1;
	s10 =	sld [smem:$0x3FAE];
	_ =	sdelay $0x3  }
0x37: {  	[smem:$0x3FAE] =	sst s10  }
0x38: {  	s10 =	sld [smem:$0x3FAF]  }
0x39: {  	_ = 	snop;
	(pc) =	sbr.ind lr, $3  }
0x3a: {  	_ = 	snop  }
0x3b: {  	_ = 	snop  }
0x3c: {  	p2 =	seq.s32 s10, $0x1;
	s10 =	sld [smem:$0x3FAE]  }
0x3d: {  	_ =	shalt  }
0x3e: {  	_ =	shalt  }
0x3f: {  	_ =	shalt  }
0x40: {  	_ =	shalt  }
0x41: {  	_ =	shalt  }
0x42: {  	_ =	shalt  }
0x43: {  	_ =	shalt  }
0x44: {  	_ =	shalt  }
0x45: {  	_ =	shalt  }
0x46: {  	_ =	shalt  }
0x47: {  	_ =	shalt  }
0x48: {  	_ =	shalt  }
0x49: {  	_ =	shalt  }
0x4a: {  	_ =	shalt  }
0x4b: {  	_ =	shalt  }
0x4c: {  	_ =	shalt  }
0x4d: {  	_ =	shalt  }
0x4e: {  	_ =	shalt  }
0x4f: {  	_ =	shalt  }
0x50: {  	_ =	shalt  }
0x51: {  	_ =	shalt  }
0x52: {  	_ =	shalt  }
0x53: {  	_ =	shalt  }
0x54: {  	_ =	shalt  }
0x55: {  	_ =	shalt  }
0x56: {  	_ =	shalt  }
0x57: {  	_ =	shalt  }
0x58: {  	_ =	shalt  }
0x59: {  	_ =	shalt  }
0x5a: {  	_ =	shalt  }
0x5b: {  	_ =	shalt  }
0x5c: {  	_ =	shalt  }
0x5d: {  	_ =	shalt  }
0x5e: {  	_ =	shalt  }
0x5f: {  	_ =	shalt  }
0x60: {  	_ =	shalt  }
0x61: {  	_ =	shalt  }
0x62: {  	_ =	shalt  }
0x63: {  	_ =	shalt  }
0x64: {  	_ =	shalt  }
0x65: {  	_ =	shalt  }
0x66: {  	_ =	shalt  }
0x67: {  	_ =	shalt  }
0x68: {  	_ =	shalt  }
0x69: {  	_ =	shalt  }
0x6a: {  	_ =	shalt  }
0x6b: {  	_ =	shalt  }
0x6c: {  	_ =	shalt  }
0x6d: {  	_ =	shalt  }
0x6e: {  	_ =	shalt  }
0x6f: {  	_ =	shalt  }
0x70: {  	_ =	shalt  }
0x71: {  	_ =	shalt  }
0x72: {  	_ =	shalt  }
0x73: {  	_ =	shalt  }
0x74: {  	_ =	shalt  }
0x75: {  	_ =	shalt  }
0x76: {  	_ =	shalt  }
0x77: {  	_ =	shalt  }
0x78: {  	_ =	shalt  }
0x79: {  	_ =	shalt  }
0x7a: {  	_ =	shalt  }
0x7b: {  	_ =	shalt  }
0x7c: {  	_ =	shalt  }
0x7d: {  	_ =	shalt  }
0x7e: {  	_ =	shalt  }
0x7f: {  	_ =	shalt  }
0x80: {  	_ =	shalt  }
0x81: {  	_ =	shalt  }
0x82: {  	_ =	shalt  }
0x83: {  	_ =	shalt  }
0x84: {  	_ =	shalt  }
0x85: {  	_ =	shalt  }
0x86: {  	_ =	shalt  }
0x87: {  	_ =	shalt  }
.Lfunc_end0:
.L_simem_size_0:
called_computation_lowered:
.L_overlay_start_0:
0x88: {  	s2 =	sld [smem:$0x3FD9]  }
0x89: {  	s3 =	sld [smem:$0x3FFE];
	_ =	sdelay $0x1  }
0x8a: {  	s1 =	srdreg.scid  }
0x8b: {  	s0 =	sand.u32 $0x1, s1  }
0x8c: {  	s28 =	sshll.u32 s0, $0xA;
	s2 =	sadd.s32 s3, s2  }
0x8d: {  	s2 =	sadd.s32 s2, s28  }
0x8e: {  	[smem:$0x3FBA] =	sst s2  }
0x8f: {  	_ = 	snop  }
0x90: {  	s2 =	sld [smem:$0x3FC9]  }
0x91: {  	s29 =	sld [smem:$0x3FC8]  }
0x92: {  	s4 =	sld [smem:$0x3FC7]  }
0x93: {  	s5 =	sld [smem:$0x3FC6]  }
0x94: {  	s6 =	sld [smem:$0x3FC5]  }
0x95: {  	s7 =	sld [smem:$0x3FD0]  }
0x96: {  	s8 =	sld [smem:$0x3FC4]  }
0x97: {  	s9 =	sld [smem:$0x3FC3]  }
0x98: {  	s11 =	simm.s32 $0xA;
	s12 =	simm.s32 $0x10;
	s10 =	sld [smem:$0x3FC2]  }
0x99: {  	[smem:s12], [sflag:s11] =	dma.local [hbm:s7], $0x1  }
0x9a: {  	_ =	swait.eq [sflag:s11], $0x1  }
0x9b: {  	s30 =	sld [smem:$0x10]  }
0x9c: {  	s31 =	sld [smem:$0x11];
	[sflag:s11] =	ssyncset.done $0x0  }
0x9d: {  	s13 =	sld [smem:$0x14];
	[sflag:s11] =	ssyncadd.s32 $0xFFFFFFFF  }
0x9e: {  	s19 =	sld [smem:$0x15];
	(tm) =	ssettm $0x1  }
0x9f: {  	s14 =	sld [smem:$0x3FFB];
	_ =	sdelay $0x3  }
0xa0: {  	_ =	strace s14  }
0xa1: {  	s14 =	sld [smem:$0x3FFC];
	_ =	sdelay $0x3  }
0xa2: {  	_ =	strace s14  }
0xa3: {  	s14 =	sld [smem:$0x3FFD];
	_ =	sdelay $0x3  }
0xa4: {  	_ =	strace s14  }
0xa5: {  	_ =	strace $0x8FFFFFFF  }
0xa6: {  	s20 =	sld [smem:$0x3FDB];
	_ =	sdelay $0x1  }
0xa7: {  	s15 =	simm.s32 $_scs_section_size  }
0xa8: {  	s16 =	simm.s32 $_size__tile_overlayer_lowered;
	s17 =	simm.s32 $_tile_overlayer_lowered  }
0xa9: {  	s23 =	simm.s32 $0x1BFF;
	s22 =	sshll.u32 s17, $0x1;
	s14 =	sadd.s32 s15, s20  }
0xaa: {  	s18 =	simm.s32 $0x0;
	s21 =	sshll.u32 s16, $0x1;
	s16 =	sadd.s32 s22, s14  }
0xab: {  	[timem:s18], [sflag:s23] =	dma.local [hbm:s16], s21  }
0xac: {  	_ =	swait.ge [sflag:s23], s21  }
0xad: {  	s15 =	ssub.s32 $0x0, s21;
	[sflag:s23] =	ssyncset.done $0x0  }
0xae: {  	[sflag:s23] =	ssyncadd.s32 s15;
	_ =	sdelay $0x1  }
0xaf: {  	s24 =	simm.s32 $0x1B8B  }
0xb0: {  	_ =	swait.ge [sflag:s24], $0x1  }
0xb1: {  	[sflag:s24] =	ssyncset.done $0x0  }
0xb2: {  	s25 =	simm.s32 $0x1B8E;
	[sflag:s24] =	ssyncadd.s32 $0xFFFFFFFF  }
0xb3: {  	s26 =	simm.s32 $execute0_lowered;
	[smem:$0x3FD2] =	sst s25  }
0xb4: {  	s15 =	sshll.u32 s26, $0x1;
	_ =	strace $0x80000046;
	[dreg:$0x1] =	wrdreg $0xFFFFFFFF  }
0xb5: {  	s28 =	simm.s32 $_size_execute0_lowered;
	s14 =	sadd.s32 s14, s15;
	[dreg:$0x0] =	wrdreg $0x0  }
0xb6: {  	s15 =	sshll.u32 s28, $0x1;
	[dreg:$0x2] =	wrdreg s14  }
0xb7: {  	[dreg:$0x3] =	wrdreg s15  }
0xb8: {  	[dreg:$0x4] =	wrdreg $0xC0  }
0xb9: {  	_ =	task [dreg:s18], $0x5FFFF  }
0xba: {  	[dreg:$0x1] =	wrdreg $0xFFFFFFFF  }
0xbb: {  	[dreg:$0x0] =	wrdreg $0x60  }
0xbc: {  	[dreg:$0x2] =	wrdreg s2  }
0xbd: {  	[dreg:$0x3] =	wrdreg s29  }
0xbe: {  	[dreg:$0x4] =	wrdreg s4  }
0xbf: {  	[dreg:$0x5] =	wrdreg s5  }
0xc0: {  	[dreg:$0x6] =	wrdreg s6  }
0xc1: {  	[dreg:$0x7] =	wrdreg s8  }
0xc2: {  	[dreg:$0x8] =	wrdreg s9  }
0xc3: {  	[dreg:$0x9] =	wrdreg s10  }
0xc4: {  	[dreg:$0xa] =	wrdreg s19  }
0xc5: {  	[dreg:$0xb] =	wrdreg s13  }
0xc6: {  	[dreg:$0xc] =	wrdreg s31  }
0xc7: {  	[dreg:$0xd] =	wrdreg s30  }
0xc8: {  	[dreg:$0xe] =	wrdreg $0x9  }
0xc9: {  	_ =	task.clear_ibuf [dreg:s18], $0xFFFFF;
	_ =	strace $0x90000046  }
0xca: {  	s29 =	simm.s32 $0x9;
	_ =	strace $0x80000048  }
0xcb: {  	_ =	swait.ge [sflag:s29], $0x1  }
0xcc: {  	[sflag:s29] =	ssyncadd.s32 $0xFFFFFFFF  }
0xcd: {  	_ =	strace $0x90000048  }
0xce: {  	_ =	sfence  }
0xcf: {  	s30 =	sld [smem:$0x0];
	_ =	sdelay $0x2  }
0xd0: {  	s31 =	sshll.u32 s1, $0xD;
	s1 =	sshrl.u32 s1, $0x2  }
0xd1: {  	s3 =	sand.u32 $0x4000, s31;
	s1 =	sadd.s32 s1, s30  }
0xd2: {  	s0 =	sor.u32 s3, s0;
	s1 =	sshll.u32 s1, $0x11  }
0xd3: {  	s0 =	sor.u32 s1, s0  }
0xd4: {  	s0 =	sadd.s32 $0x8F2B, s0  }
0xd5: {  	[sflag:s0] =	ssyncadd.remote.s32 $0x1  }
0xd6: {  	_ =	sfence.sel $0xFFFF  }
0xd7: {  	[dreg:$0x0] =	wrdreg $0xFFFFFFFF;
	(pc) =	sbr.abs _section_cstart, $3  }
0xd8: {  	[dreg:$0x1] =	wrdreg $0xFFFFFFFF  }
0xd9: {  	_ =	task.clear_ibuf [dreg:s18], $0x2FFFF;
	_ =	strace $0x9FFFFFFF  }
0xda: {  	(tm) =	ssettm $0x7FFFFFFF  }
0xdb: {  	_ =	shalt  }
tec
execute0_lowered:
.L_overlay_start_1:
0x0: {  	(tag) =	ssettag $0x1  }
0x1: {  	s0 =	rddreg [dreg:$0x0]  }
0x2: {  	s1 =	rddreg [dreg:$0x1]  }
0x3: {  	s2 =	rddreg [dreg:$0x2]  }
0x4: {  	s3 =	rddreg [dreg:$0x3]  }
0x5: {  	s7 =	rddreg [dreg:$0x4]  }
0x6: {  	s9 =	rddreg [dreg:$0x5]  }
0x7: {  	s11 =	rddreg [dreg:$0x6]  }
0x8: {  	s13 =	rddreg [dreg:$0x7]  }
0x9: {  	s21 =	rddreg [dreg:$0x8]  }
0xa: {  	s23 =	rddreg [dreg:$0x9]  }
0xb: {  	s25 =	rddreg [dreg:$0xa]  }
0xc: {  	s5 =	srdreg.scid;
	s4 =	stileid.u32  }
0xd: {  	s28 =	rddreg [dreg:$0xb];
	s26 =	sand.u32 $0x1, s5;
	s8 =	sshll.u32 s4, $0x1  }
0xe: {  	s6 =	simm.s32 $0x0;
	s5 =	rddreg [dreg:$0xc];
	s29 =	sor.u32 s26, s8  }
0xf: {  	[smem:$0x7FF] =	sst s6;
	s10 =	sshll.u32 s29, $0x3  }
0x10: {  	_ =	strace $0x80000047;
	s8 =	sadd.s32 s7, s10;
	s7 =	simm.s32 $0x5  }
0x11: {  	[tilespmem:s6], [sflag:$0x5] =	stream.linear.gather [hbm4b:s8+s6], $0x40, $0x38;
	[tilespmem:$0xC200] =	vst v63  }
0x12: {  	_ =	swait.ge [sflag:s7], $0x40  }
0x13: {  	[sflag:s7] =	ssyncset.done $0x0  }
0x14: {  	s9 =	sadd.s32 s9, s10;
	s10 =	simm.s32 $0x80;
	[sflag:s7] =	ssyncadd.s32 $0xFFFFFFC0  }
0x15: {  	[tilespmem:s10], [sflag:$0x5] =	stream.linear.gather [hbm4b:s9+s6], $0x40, $0x38;
	[tilespmem:$0xC200] =	vst v63  }
0x16: {  	_ =	swait.ge [sflag:s7], $0x40  }
0x17: {  	s14 =	sshll.u32 s29, $0x4;
	[sflag:s7] =	ssyncset.done $0x0  }
0x18: {  	s12 =	simm.s32 $0x100;
	s11 =	sadd.s32 s11, s14;
	[sflag:s7] =	ssyncadd.s32 $0xFFFFFFC0  }
0x19: {  	[tilespmem:s12], [sflag:$0x5] =	stream.linear.gather [hbm4b:s11+s6], $0x80, $0x38;
	[tilespmem:$0xC200] =	vst v63  }
0x1a: {  	_ =	swait.ge [sflag:s7], $0x80  }
0x1b: {  	[sflag:s7] =	ssyncset.done $0x0  }
0x1c: {  	s13 =	sadd.s32 s13, s14;
	s14 =	simm.s32 $0x180;
	[sflag:s7] =	ssyncadd.s32 $0xFFFFFF80  }
0x1d: {  	[tilespmem:s14], [sflag:$0x5] =	stream.linear.gather [hbm4b:s13+s6], $0x80, $0x38;
	[tilespmem:$0xC200] =	vst v63  }
0x1e: {  	_ =	swait.ge [sflag:s7], $0x80  }
0x1f: {  	[sflag:s7] =	ssyncset.done $0x0  }
0x20: {  	s15 =	simm.s32 $0x40;
	s16 =	simm.s32 $0x200;
	[sflag:s7] =	ssyncadd.s32 $0xFFFFFF80  }
0x21: {  	[tilespmem:s16], [sflag:$0x1] =	stream.indirect.gather [hbm4b:s0+s15], $0x80, s6, s15, $0xb8;
	[tilespmem:$0xC200] =	vst v63  }
0x22: {  	s17 =	simm.s32 $0x2200  }
0x23: {  	[tilespmem:s17], [sflag:$0x2] =	stream.indirect.gather [hbm4b:s1+s15], $0x80, s10, s15, $0xb8;
	[tilespmem:$0xC200] =	vst v63  }
0x24: {  	s18 =	simm.s32 $0x4200  }
0x25: {  	[tilespmem:s18], [sflag:$0x3] =	stream.indirect.gather [hbm4b:s2+s10], $0x80, s12, s10, $0xb8;
	[tilespmem:$0xC200] =	vst v63  }
0x26: {  	s19 =	simm.s32 $0x8200;
	s20 =	simm.s32 $0x1  }
0x27: {  	[tilespmem:s19], [sflag:$0x4] =	stream.indirect.gather [hbm4b:s3+s10], $0x80, s14, s10, $0xb8;
	[tilespmem:$0xC200] =	vst v63  }
0x28: {  	_ =	swait.ge [sflag:s20], $0x2000  }
0x29: {  	s24 =	sshll.u32 s29, $0xA;
	[sflag:s20] =	ssyncset.done $0x0  }
0x2a: {  	s21 =	sadd.s32 s21, s24;
	[sflag:s20] =	ssyncadd.s32 $0xFFFFE000  }
0x2b: {  	[hbm4b:s21+s6] =	stream.linear.scatter [tilespmem:s16], [sflag:$0x5], $0x2000, $0x38;
	[tilespmem:$0xC200] =	vst v63  }
0x2c: {  	_ =	swait.ge [sflag:s7], $0x2000  }
0x2d: {  	[sflag:s7] =	ssyncset.done $0x0  }
0x2e: {  	s22 =	simm.s32 $0x2;
	[sflag:s7] =	ssyncadd.s32 $0xFFFFE000  }
0x2f: {  	_ =	swait.ge [sflag:s22], $0x2000  }
0x30: {  	[sflag:s22] =	ssyncset.done $0x0  }
0x31: {  	s23 =	sadd.s32 s23, s24;
	[sflag:s22] =	ssyncadd.s32 $0xFFFFE000  }
0x32: {  	[hbm4b:s23+s6] =	stream.linear.scatter [tilespmem:s17], [sflag:$0x5], $0x2000, $0x38;
	[tilespmem:$0xC200] =	vst v63  }
0x33: {  	_ =	swait.ge [sflag:s7], $0x2000  }
0x34: {  	[sflag:s7] =	ssyncset.done $0x0  }
0x35: {  	s24 =	simm.s32 $0x3;
	[sflag:s7] =	ssyncadd.s32 $0xFFFFE000  }
0x36: {  	_ =	swait.ge [sflag:s24], $0x4000  }
0x37: {  	s29 =	sshll.u32 s29, $0xB;
	[sflag:s24] =	ssyncset.done $0x0  }
0x38: {  	s30 =	ssub.s32 $0x2, s26;
	s25 =	sadd.s32 s25, s29;
	[sflag:s24] =	ssyncadd.s32 $0xFFFFC000  }
0x39: {  	[hbm4b:s25+s6] =	stream.linear.scatter [tilespmem:s18], [sflag:$0x5], $0x4000, $0x38;
	[tilespmem:$0xC200] =	vst v63  }
0x3a: {  	s31 =	sshrl.u32 s30, $0x1;
	_ =	swait.ge [sflag:s7], $0x4000  }
0x3b: {  	s26 =	simm.s32 $0x4;
	s30 =	ssub.s32 s30, s31;
	[sflag:s7] =	ssyncset.done $0x0  }
0x3c: {  	s28 =	sadd.s32 s28, s29;
	s29 =	smax.u32 s30, $0x1;
	[sflag:s7] =	ssyncadd.s32 $0xFFFFC000  }
0x3d: {  	p0 =	sne.s32 s29, $0x1;
	_ =	swait.ge [sflag:s26], $0x4000  }
.Ltmp0:
0x3e: {  	[sflag:s26] =	ssyncset.done $0x0;
	(pc) =	sbr.rel @!p0 .LBB2_2-.Ltmp0, $4  }
0x3f: {  	[sflag:s26] =	ssyncadd.s32 $0xFFFFC000  }
0x40: {  	[hbm4b:s28+s6] =	stream.linear.scatter [tilespmem:s19], [sflag:$0x5], $0x4000, $0x38;
	[tilespmem:$0xC200] =	vst v63  }
0x41: {  	_ =	swait.ge [sflag:s7], $0x4000  }
0x42: {  	s29 =	sadd.s32 $0xFFFFFFFF, s29;
	[sflag:s7] =	ssyncset.done $0x0  }
.LBB2_1:
0x43: {  	p0 =	sne.s32 s29, $0x1;
	s29 =	sadd.s32 $0xFFFFFFFF, s29;
	[sflag:s7] =	ssyncadd.s32 $0xFFFFC000  }
0x44: {  	[tilespmem:s6], [sflag:$0x5] =	stream.linear.gather [hbm4b:s8+s6], $0x40, $0x38;
	[tilespmem:$0xC200] =	vst v63  }
0x45: {  	_ =	swait.ge [sflag:s7], $0x40  }
0x46: {  	[sflag:s7] =	ssyncset.done $0x0  }
0x47: {  	[sflag:s7] =	ssyncadd.s32 $0xFFFFFFC0  }
0x48: {  	[tilespmem:s10], [sflag:$0x5] =	stream.linear.gather [hbm4b:s9+s6], $0x40, $0x38;
	[tilespmem:$0xC200] =	vst v63  }
0x49: {  	_ =	swait.ge [sflag:s7], $0x40  }
0x4a: {  	[sflag:s7] =	ssyncset.done $0x0  }
0x4b: {  	[sflag:s7] =	ssyncadd.s32 $0xFFFFFFC0  }
0x4c: {  	[tilespmem:s12], [sflag:$0x5] =	stream.linear.gather [hbm4b:s11+s6], $0x80, $0x38;
	[tilespmem:$0xC200] =	vst v63  }
0x4d: {  	_ =	swait.ge [sflag:s7], $0x80  }
0x4e: {  	[sflag:s7] =	ssyncset.done $0x0  }
0x4f: {  	[sflag:s7] =	ssyncadd.s32 $0xFFFFFF80  }
0x50: {  	[tilespmem:s14], [sflag:$0x5] =	stream.linear.gather [hbm4b:s13+s6], $0x80, $0x38;
	[tilespmem:$0xC200] =	vst v63  }
0x51: {  	_ =	swait.ge [sflag:s7], $0x80  }
0x52: {  	[sflag:s7] =	ssyncset.done $0x0  }
0x53: {  	[sflag:s7] =	ssyncadd.s32 $0xFFFFFF80  }
0x54: {  	[tilespmem:s16], [sflag:$0x1] =	stream.indirect.gather [hbm4b:s0+s15], $0x80, s6, s15, $0xb8;
	[tilespmem:$0xC200] =	vst v63  }
0x55: {  	_ = 	snop  }
0x56: {  	[tilespmem:s17], [sflag:$0x2] =	stream.indirect.gather [hbm4b:s1+s15], $0x80, s10, s15, $0xb8;
	[tilespmem:$0xC200] =	vst v63  }
0x57: {  	_ = 	snop  }
0x58: {  	[tilespmem:s18], [sflag:$0x3] =	stream.indirect.gather [hbm4b:s2+s10], $0x80, s12, s10, $0xb8;
	[tilespmem:$0xC200] =	vst v63  }
0x59: {  	_ = 	snop  }
0x5a: {  	[tilespmem:s19], [sflag:$0x4] =	stream.indirect.gather [hbm4b:s3+s10], $0x80, s14, s10, $0xb8;
	[tilespmem:$0xC200] =	vst v63  }
0x5b: {  	_ =	swait.ge [sflag:s20], $0x2000  }
0x5c: {  	[sflag:s20] =	ssyncset.done $0x0  }
0x5d: {  	[sflag:s20] =	ssyncadd.s32 $0xFFFFE000  }
0x5e: {  	[hbm4b:s21+s6] =	stream.linear.scatter [tilespmem:s16], [sflag:$0x5], $0x2000, $0x38;
	[tilespmem:$0xC200] =	vst v63  }
0x5f: {  	_ =	swait.ge [sflag:s7], $0x2000  }
0x60: {  	[sflag:s7] =	ssyncset.done $0x0  }
0x61: {  	[sflag:s7] =	ssyncadd.s32 $0xFFFFE000  }
0x62: {  	_ =	swait.ge [sflag:s22], $0x2000  }
0x63: {  	[sflag:s22] =	ssyncset.done $0x0  }
0x64: {  	[sflag:s22] =	ssyncadd.s32 $0xFFFFE000  }
0x65: {  	[hbm4b:s23+s6] =	stream.linear.scatter [tilespmem:s17], [sflag:$0x5], $0x2000, $0x38;
	[tilespmem:$0xC200] =	vst v63  }
0x66: {  	_ =	swait.ge [sflag:s7], $0x2000  }
0x67: {  	[sflag:s7] =	ssyncset.done $0x0  }
0x68: {  	[sflag:s7] =	ssyncadd.s32 $0xFFFFE000  }
0x69: {  	_ =	swait.ge [sflag:s24], $0x4000  }
0x6a: {  	[sflag:s24] =	ssyncset.done $0x0  }
0x6b: {  	[sflag:s24] =	ssyncadd.s32 $0xFFFFC000  }
0x6c: {  	[hbm4b:s25+s6] =	stream.linear.scatter [tilespmem:s18], [sflag:$0x5], $0x4000, $0x38;
	[tilespmem:$0xC200] =	vst v63  }
0x6d: {  	_ =	swait.ge [sflag:s7], $0x4000  }
0x6e: {  	[sflag:s7] =	ssyncset.done $0x0  }
0x6f: {  	[sflag:s7] =	ssyncadd.s32 $0xFFFFC000  }
0x70: {  	_ =	swait.ge [sflag:s26], $0x4000  }
.Ltmp1:
0x71: {  	[sflag:s26] =	ssyncset.done $0x0;
	(pc) =	sbr.rel @p0 .LBB2_1-.Ltmp1, $4  }
0x72: {  	[sflag:s26] =	ssyncadd.s32 $0xFFFFC000  }
0x73: {  	[hbm4b:s28+s6] =	stream.linear.scatter [tilespmem:s19], [sflag:$0x5], $0x4000, $0x38;
	[tilespmem:$0xC200] =	vst v63  }
0x74: {  	_ =	swait.ge [sflag:s7], $0x4000  }
0x75: {  	[sflag:s7] =	ssyncset.done $0x0  }
.LBB2_2:
0x76: {  	[sflag:s7] =	ssyncadd.s32 $0xFFFFC000  }
0x77: {  	_ =	sfence.sel $0x180000  }
0x78: {  	[bflag:$0x0] =	sbarrier.arrive $0xFFFF  }
0x79: {  	p0 =	sne.s32 s4, $0x0;
	_ =	strace $0x90000047  }
0x7a: {  	s0 =	sadd.s32 @!p0 $0x100000, s5;
	[bflag:$0x2] =	sbarrier.arrive $0xFFFF  }
0x7b: {  	[sflag:s0] =	ssyncadd.tile.s32 @!p0 $0x1;
	_ =	shalt  }
.Lfunc_end2:
_tile_overlayer_lowered:
.L_overlay_start_2:
0x7c: {  	(tag) =	ssettag $0x2  }
0x7d: {  	s0 =	rddreg [dreg:$0x0];
	s2 =	stileid.u32  }
0x7e: {  	s1 =	rddreg [dreg:$0x1];
	p0 =	sne.s32 s2, $0x0  }
0x7f: {  	s3 =	rddreg [dreg:$0x2];
	[bflag:$0x3] =	sbarrier.arrive $0xFFFF;
	s2 =	simm.s32 @!p0 $0x1C05  }
0x80: {  	[timem:s3], [sflag:s2] =	dma.local @!p0 [hbm:s0], s1  }
0x81: {  	s0 =	simm.s32 @!p0 $0x5  }
0x82: {  	_ =	swait.ge @!p0 [sflag:s0], s1  }
0x83: {  	s1 =	ssub.s32 @!p0 $0x0, s1;
	[sflag:s0] =	ssyncset.done @!p0 $0x0  }
0x84: {  	[sflag:s0] =	ssyncadd.s32 @!p0 s1  }
0x85: {  	[bflag:$0x3] =	sbarrier.arrive $0xFFFF  }
0x86: {  	_ =	shalt  }

</sc_bundles>
